<compile_context>
chip_gen: v7x
topology: tpu7x:2x2x1
jax: 0.10.2.dev20260603
libtpu: 0.0.44.dev20260713+nightly
codegen_flags: <defaults>
</compile_context>

<pallas_src>
import functools

import jax
import jax.numpy as jnp
from jax import lax
from jax.experimental import pallas as pl
from jax.experimental.pallas import tpu as pltpu
from jax.experimental.pallas import tpu_sc as plsc

B = 16384
EMB = 32
NC = 2
NS = 16
NW = NC * NS
BPW = B // NW
CHUNK = 128
NCHUNK = BPW // CHUNK
IDX_ROWS = B // CHUNK


def _sc_gather_body(*refs):
    tabs = refs[0:8]
    idxs = refs[8:16]
    outs = refs[16:24]
    idx_v, rows_v, sem = refs[24], refs[25], refs[26]

    wid = lax.axis_index("s") * NC + lax.axis_index("c")
    base = wid * BPW

    for f in range(8):
        pltpu.sync_copy(idxs[f].at[pl.ds(wid * NCHUNK, NCHUNK)], idx_v)
        cps = []
        for j in range(NCHUNK):
            cps.append(
                pltpu.async_copy(
                    tabs[f].at[idx_v.at[j]],
                    rows_v.at[pl.ds(j * CHUNK, CHUNK)],
                    sem,
                )
            )
        for cp in cps:
            cp.wait()
        pltpu.sync_copy(rows_v, outs[f].at[pl.ds(base, BPW)])


def _make_sc_gather():
    mesh = plsc.VectorSubcoreMesh(core_axis_name="c", subcore_axis_name="s")
    out_type = tuple(
        jax.ShapeDtypeStruct((B, EMB), jnp.float32) for _ in range(8)
    )
    scratch = [
        pltpu.VMEM((NCHUNK, CHUNK), jnp.int32),
        pltpu.VMEM((BPW, EMB), jnp.float32),
        pltpu.SemaphoreType.DMA,
    ]
    return pl.kernel(
        _sc_gather_body,
        mesh=mesh,
        out_type=out_type,
        scratch_types=scratch,
        compiler_params=pltpu.CompilerParams(use_tc_tiling_on_sc=False),
    )


BLK = 2048


def _tc_dense_body(ue0, ue1, ue2, ue3, ie0, ie1, ie2, ie3,
                   uW1, ub1, uW2, ub2, iW1, ib1, iW2, ib2, oW, ob, out):
    uvec = jnp.concatenate([ue0[...], ue1[...], ue2[...], ue3[...]], axis=1)
    hu = jnp.maximum(
        jnp.dot(uvec, uW1[...], preferred_element_type=jnp.float32) + ub1[...], 0.0)
    u = jnp.maximum(
        jnp.dot(hu, uW2[...], preferred_element_type=jnp.float32) + ub2[...], 0.0)

    ivec = jnp.concatenate([ie0[...], ie1[...], ie2[...], ie3[...]], axis=1)
    hi = jnp.maximum(
        jnp.dot(ivec, iW1[...], preferred_element_type=jnp.float32) + ib1[...], 0.0)
    it = jnp.maximum(
        jnp.dot(hi, iW2[...], preferred_element_type=jnp.float32) + ib2[...], 0.0)

    dot = jnp.sum(u * it, axis=1, keepdims=True)
    nu = jnp.sqrt(jnp.sum(u * u, axis=1, keepdims=True))
    ni = jnp.sqrt(jnp.sum(it * it, axis=1, keepdims=True))
    cos = dot / (nu * ni + 1e-7)
    z = cos * oW[0, 0] + ob[0, 0]
    out[...] = 1.0 / (1.0 + jnp.exp(-z))


def _tc_dense(ue, ie, uW1, ub1, uW2, ub2, iW1, ib1, iW2, ib2, oW, ob):
    grid = (B // BLK,)
    emb_spec = pl.BlockSpec((BLK, EMB), lambda i: (i, 0))
    full = lambda shape: pl.BlockSpec(shape, lambda i: (0, 0))
    return pl.pallas_call(
        _tc_dense_body,
        grid=grid,
        in_specs=[emb_spec] * 8 + [
            full((128, 128)), full((1, 128)),
            full((128, 64)), full((1, 64)),
            full((128, 128)), full((1, 128)),
            full((128, 64)), full((1, 64)),
            full((1, 1)), full((1, 1)),
        ],
        out_specs=pl.BlockSpec((BLK, 1), lambda i: (i, 0)),
        out_shape=jax.ShapeDtypeStruct((B, 1), jnp.float32),
    )(*ue, *ie, uW1, ub1, uW2, ub2, iW1, ib1, iW2, ib2, oW, ob)


def kernel(user_id_idx, user_age_idx, user_gender_idx, user_city_idx,
           item_id_idx, item_cate_idx, item_brand_idx, item_price_idx,
           user_emb_user_id, user_emb_user_age, user_emb_user_gender, user_emb_user_city,
           item_emb_item_id, item_emb_item_cate, item_emb_item_brand, item_emb_item_price,
           uW1, ub1, uW2, ub2, iW1, ib1, iW2, ib2, oW, ob):
    tabs = (user_emb_user_id, user_emb_user_age, user_emb_user_gender, user_emb_user_city,
            item_emb_item_id, item_emb_item_cate, item_emb_item_brand, item_emb_item_price)
    idxs = tuple(
        a.astype(jnp.int32).reshape(IDX_ROWS, CHUNK)
        for a in (user_id_idx, user_age_idx, user_gender_idx, user_city_idx,
                  item_id_idx, item_cate_idx, item_brand_idx, item_price_idx)
    )
    gathered = _make_sc_gather()(*tabs, *idxs)
    return _tc_dense(
        gathered[:4], gathered[4:],
        uW1, ub1.reshape(1, 128), uW2, ub2.reshape(1, 64),
        iW1, ib1.reshape(1, 128), iW2, ib2.reshape(1, 64),
        oW, ob.reshape(1, 1),
    )

# --- scband reference (transcript-rebuilt; emitter-appended) ---
"""Pipeline reference for scband-dssmmodel-1-56616258896040 (READ-ONLY COPY).

The authoritative reference and input builder live on the scoring server;
editing this copy changes nothing except your own understanding.
"""

import jax, jax.numpy as jnp
import numpy as np

EMB_DIM = 32
BATCH = 16384
USER_VOCABS = {"user_id": 100000, "user_age": 100, "user_gender": 4, "user_city": 1000}
ITEM_VOCABS = {"item_id": 100000, "item_cate": 1000, "item_brand": 10000, "item_price": 100}
EPS = 1e-7


def setup_inputs(seed: int = 0) -> dict:
    key = jax.random.key(seed)
    ks = jax.random.split(key, 32)
    inp = {}
    # index inputs
    for i, (feat, vocab) in enumerate(USER_VOCABS.items()):
        inp[feat + "_idx"] = jax.random.randint(ks[i], (BATCH,), 0, vocab, dtype=jnp.int64 if jax.config.jax_enable_x64 else jnp.int32)
    for i, (feat, vocab) in enumerate(ITEM_VOCABS.items()):
        inp[feat + "_idx"] = jax.random.randint(ks[4 + i], (BATCH,), 0, vocab, dtype=jnp.int64 if jax.config.jax_enable_x64 else jnp.int32)
    # embedding tables (vocab_size + 1 rows, as in keras Embedding(input_dim=vocab+1))
    for i, (feat, vocab) in enumerate(USER_VOCABS.items()):
        inp["user_emb_" + feat] = jax.random.normal(ks[8 + i], (vocab + 1, EMB_DIM), dtype=jnp.float32) * 0.05
    for i, (feat, vocab) in enumerate(ITEM_VOCABS.items()):
        inp["item_emb_" + feat] = jax.random.normal(ks[12 + i], (vocab + 1, EMB_DIM), dtype=jnp.float32) * 0.05
    n_user = len(USER_VOCABS)
    n_item = len(ITEM_VOCABS)
    # dense tower weights
    inp["uW1"] = jax.random.normal(ks[16], (n_user * EMB_DIM, 128), dtype=jnp.float32) * 0.05
    inp["ub1"] = jnp.zeros((128,), dtype=jnp.float32)
    inp["uW2"] = jax.random.normal(ks[17], (128, 64), dtype=jnp.float32) * 0.05
    inp["ub2"] = jnp.zeros((64,), dtype=jnp.float32)
    inp["iW1"] = jax.random.normal(ks[18], (n_item * EMB_DIM, 128), dtype=jnp.float32) * 0.05
    inp["ib1"] = jnp.zeros((128,), dtype=jnp.float32)
    inp["iW2"] = jax.random.normal(ks[19], (128, 64), dtype=jnp.float32) * 0.05
    inp["ib2"] = jnp.zeros((64,), dtype=jnp.float32)
    inp["oW"] = jax.random.normal(ks[20], (1, 1), dtype=jnp.float32) * 0.05
    inp["ob"] = jnp.zeros((1,), dtype=jnp.float32)
    return inp


def reference(user_id_idx, user_age_idx, user_gender_idx, user_city_idx,
              item_id_idx, item_cate_idx, item_brand_idx, item_price_idx,
              user_emb_user_id, user_emb_user_age, user_emb_user_gender, user_emb_user_city,
              item_emb_item_id, item_emb_item_cate, item_emb_item_brand, item_emb_item_price,
              uW1, ub1, uW2, ub2, iW1, ib1, iW2, ib2, oW, ob):
    user_embeds = [
        jnp.take(user_emb_user_id, user_id_idx, axis=0),
        jnp.take(user_emb_user_age, user_age_idx, axis=0),
        jnp.take(user_emb_user_gender, user_gender_idx, axis=0),
        jnp.take(user_emb_user_city, user_city_idx, axis=0),
    ]
    user_vector = jnp.concatenate(user_embeds, axis=-1)
    user_vector = jax.nn.relu(user_vector @ uW1 + ub1)
    user_vector = jax.nn.relu(user_vector @ uW2 + ub2)
    item_embeds = [
        jnp.take(item_emb_item_id, item_id_idx, axis=0),
        jnp.take(item_emb_item_cate, item_cate_idx, axis=0),
        jnp.take(item_emb_item_brand, item_brand_idx, axis=0),
        jnp.take(item_emb_item_price, item_price_idx, axis=0),
    ]
    item_vector = jnp.concatenate(item_embeds, axis=-1)
    item_vector = jax.nn.relu(item_vector @ iW1 + ib1)
    item_vector = jax.nn.relu(item_vector @ iW2 + ib2)
    dot = jnp.sum(user_vector * item_vector, axis=-1, keepdims=True)
    denom = jnp.linalg.norm(user_vector, axis=-1, keepdims=True) * jnp.linalg.norm(item_vector, axis=-1, keepdims=True) + EPS
    cosine_sim = dot / denom
    output = jax.nn.sigmoid(cosine_sim @ oW + ob)
    return output


if False:  # reference __main__ guard neutralized (emitter)
    out = reference(**setup_inputs())
    print(out.shape, out.dtype)

if __name__ == "__main__":
    import jax
    _d = setup_inputs()
    print(jax.jit(kernel)(*tuple(_d.values())))

</pallas_src>

<mosaic_0001>
#map = affine_map<(d0, d1) -> (0, 0)>
module attributes {stable_mosaic.version = 14 : i64} {
  func.func @_sc_gather_body(%arg0: i32, %arg1: i32, %arg2: memref<100001x32xf32, #tpu.memory_space<hbm>>, %arg3: memref<101x32xf32, #tpu.memory_space<hbm>>, %arg4: memref<5x32xf32, #tpu.memory_space<hbm>>, %arg5: memref<1001x32xf32, #tpu.memory_space<hbm>>, %arg6: memref<100001x32xf32, #tpu.memory_space<hbm>>, %arg7: memref<1001x32xf32, #tpu.memory_space<hbm>>, %arg8: memref<10001x32xf32, #tpu.memory_space<hbm>>, %arg9: memref<101x32xf32, #tpu.memory_space<hbm>>, %arg10: memref<128x128xi32, #tpu.memory_space<hbm>>, %arg11: memref<128x128xi32, #tpu.memory_space<hbm>>, %arg12: memref<128x128xi32, #tpu.memory_space<hbm>>, %arg13: memref<128x128xi32, #tpu.memory_space<hbm>>, %arg14: memref<128x128xi32, #tpu.memory_space<hbm>>, %arg15: memref<128x128xi32, #tpu.memory_space<hbm>>, %arg16: memref<128x128xi32, #tpu.memory_space<hbm>>, %arg17: memref<128x128xi32, #tpu.memory_space<hbm>>, %arg18: memref<16384x32xf32, #tpu.memory_space<hbm>>, %arg19: memref<16384x32xf32, #tpu.memory_space<hbm>>, %arg20: memref<16384x32xf32, #tpu.memory_space<hbm>>, %arg21: memref<16384x32xf32, #tpu.memory_space<hbm>>, %arg22: memref<16384x32xf32, #tpu.memory_space<hbm>>, %arg23: memref<16384x32xf32, #tpu.memory_space<hbm>>, %arg24: memref<16384x32xf32, #tpu.memory_space<hbm>>, %arg25: memref<16384x32xf32, #tpu.memory_space<hbm>>, %arg26: memref<4x128xi32, #tpu.memory_space<vmem>>, %arg27: memref<512x32xf32, #tpu.memory_space<vmem>>, %arg28: memref<!tpu.dma_semaphore, #tpu.memory_space<semaphore_mem>>) attributes {dimension_semantics = [#tpu.dimension_semantics<core_parallel>, #tpu.dimension_semantics<subcore_parallel>], iteration_bounds = array<i64: 2, 16>, scalar_prefetch = 0 : i64, scratch_operands = 3 : i64, tpu.core_type = #tpu.core_type<sc_vector_subcore>, window_params = [{transform_indices = #map}, {transform_indices = #map}, {transform_indices = #map}, {transform_indices = #map}, {transform_indices = #map}, {transform_indices = #map}, {transform_indices = #map}, {transform_indices = #map}, {transform_indices = #map}, {transform_indices = #map}, {transform_indices = #map}, {transform_indices = #map}, {transform_indices = #map}, {transform_indices = #map}, {transform_indices = #map}, {transform_indices = #map}, {transform_indices = #map}, {transform_indices = #map}, {transform_indices = #map}, {transform_indices = #map}, {transform_indices = #map}, {transform_indices = #map}, {transform_indices = #map}, {transform_indices = #map}]} {
    %mul3A = arith.constant 2 : i32
    %mul3A_0 = arith.muli %arg1, %mul3A : i32
    %add3A = arith.addi %mul3A_0, %arg0 : i32
    %mul3A_1 = arith.constant 512 : i32
    %mul3A_2 = arith.muli %add3A, %mul3A_1 : i32
    %mul3A_3 = arith.constant 4 : i32
    %mul3A_4 = arith.muli %add3A, %mul3A_3 : i32
    "tpu.region"() ({
      %run_scoped3A = tpu.sem_alloc : memref<!tpu.dma_semaphore, #tpu.memory_space<semaphore_mem>>
      %dma_start3A_657 = arith.constant 0 : i32
      %dma_start3A_658 = tpu.memref_slice %arg10[%mul3A_4, %dma_start3A_657] : memref<128x128xi32, #tpu.memory_space<hbm>> -> memref<4x128xi32, #tpu.memory_space<hbm>>
      %dma_start3A_659 = arith.constant 0 : i32
      %dma_start3A_660 = tpu.memref_slice %arg10[%mul3A_4, %dma_start3A_659] : memref<128x128xi32, #tpu.memory_space<hbm>> -> memref<4x128xi32, #tpu.memory_space<hbm>>
      tpu.enqueue_dma source(%dma_start3A_660 : memref<4x128xi32, #tpu.memory_space<hbm>>) target(%arg26 : memref<4x128xi32, #tpu.memory_space<vmem>>) target_semaphore(%run_scoped3A : memref<!tpu.dma_semaphore, #tpu.memory_space<semaphore_mem>>)
      %dma_wait3A_661 = arith.constant 0 : i32
      %dma_wait3A_662 = tpu.memref_slice %arg10[%mul3A_4, %dma_wait3A_661] : memref<128x128xi32, #tpu.memory_space<hbm>> -> memref<4x128xi32, #tpu.memory_space<hbm>>
      %dma_wait3A_663 = arith.constant 0 : i32
      %dma_wait3A_664 = tpu.memref_slice %arg10[%mul3A_4, %dma_wait3A_663] : memref<128x128xi32, #tpu.memory_space<hbm>> -> memref<4x128xi32, #tpu.memory_space<hbm>>
      tpu.wait_dma2 semaphore(%run_scoped3A : memref<!tpu.dma_semaphore, #tpu.memory_space<semaphore_mem>>) src(%dma_wait3A_664 : memref<4x128xi32, #tpu.memory_space<hbm>>) dst(%arg26 : memref<4x128xi32, #tpu.memory_space<vmem>>)
      tpu.yield
    }) : () -> ()
    %dma_start3A = arith.constant 0 : i32
    %dma_start3A_5 = arith.constant 0 : i32
    %dma_start3A_6 = arith.constant 0 : i32
    %dma_start3A_7 = tpu.memref_slice %arg27[%dma_start3A_5, %dma_start3A_6] : memref<512x32xf32, #tpu.memory_space<vmem>> -> memref<128x32xf32, #tpu.memory_space<vmem>>
    %dma_start3A_8 = arith.constant 0 : i32
    %dma_start3A_9 = tpu.memref_slice %arg26[%dma_start3A, %dma_start3A_8] : memref<4x128xi32, #tpu.memory_space<vmem>> -> memref<1x128xi32, #tpu.memory_space<vmem>>
    %dma_start3A_10 = tpu.memref_squeeze %dma_start3A_9 : memref<1x128xi32, #tpu.memory_space<vmem>> -> memref<128xi32, #tpu.memory_space<vmem>>
    %dma_start3A_11 = arith.constant 0 : i32
    %dma_start3A_12 = arith.constant 0 : i32
    %dma_start3A_13 = tpu.memref_slice %arg2[%dma_start3A_11, %dma_start3A_12] : memref<100001x32xf32, #tpu.memory_space<hbm>> -> memref<100001x32xf32, #tpu.memory_space<hbm>>
    tpu.enqueue_indirect_dma source(%dma_start3A_13 : memref<100001x32xf32, #tpu.memory_space<hbm>>) target(%dma_start3A_7 : memref<128x32xf32, #tpu.memory_space<vmem>>) offsets(%dma_start3A_10 : memref<128xi32, #tpu.memory_space<vmem>>) semaphore(%arg28 : memref<!tpu.dma_semaphore, #tpu.memory_space<semaphore_mem>>)
    %dma_start3A_14 = arith.constant 1 : i32
    %dma_start3A_15 = arith.constant 128 : i32
    %dma_start3A_16 = arith.constant 0 : i32
    %dma_start3A_17 = tpu.memref_slice %arg27[%dma_start3A_15, %dma_start3A_16] : memref<512x32xf32, #tpu.memory_space<vmem>> -> memref<128x32xf32, #tpu.memory_space<vmem>>
    %dma_start3A_18 = arith.constant 0 : i32
    %dma_start3A_19 = tpu.memref_slice %arg26[%dma_start3A_14, %dma_start3A_18] : memref<4x128xi32, #tpu.memory_space<vmem>> -> memref<1x128xi32, #tpu.memory_space<vmem>>
    %dma_start3A_20 = tpu.memref_squeeze %dma_start3A_19 : memref<1x128xi32, #tpu.memory_space<vmem>> -> memref<128xi32, #tpu.memory_space<vmem>>
    %dma_start3A_21 = arith.constant 0 : i32
    %dma_start3A_22 = arith.constant 0 : i32
    %dma_start3A_23 = tpu.memref_slice %arg2[%dma_start3A_21, %dma_start3A_22] : memref<100001x32xf32, #tpu.memory_space<hbm>> -> memref<100001x32xf32, #tpu.memory_space<hbm>>
    tpu.enqueue_indirect_dma source(%dma_start3A_23 : memref<100001x32xf32, #tpu.memory_space<hbm>>) target(%dma_start3A_17 : memref<128x32xf32, #tpu.memory_space<vmem>>) offsets(%dma_start3A_20 : memref<128xi32, #tpu.memory_space<vmem>>) semaphore(%arg28 : memref<!tpu.dma_semaphore, #tpu.memory_space<semaphore_mem>>)
    %dma_start3A_24 = arith.constant 2 : i32
    %dma_start3A_25 = arith.constant 256 : i32
    %dma_start3A_26 = arith.constant 0 : i32
    %dma_start3A_27 = tpu.memref_slice %arg27[%dma_start3A_25, %dma_start3A_26] : memref<512x32xf32, #tpu.memory_space<vmem>> -> memref<128x32xf32, #tpu.memory_space<vmem>>
    %dma_start3A_28 = arith.constant 0 : i32
    %dma_start3A_29 = tpu.memref_slice %arg26[%dma_start3A_24, %dma_start3A_28] : memref<4x128xi32, #tpu.memory_space<vmem>> -> memref<1x128xi32, #tpu.memory_space<vmem>>
    %dma_start3A_30 = tpu.memref_squeeze %dma_start3A_29 : memref<1x128xi32, #tpu.memory_space<vmem>> -> memref<128xi32, #tpu.memory_space<vmem>>
    %dma_start3A_31 = arith.constant 0 : i32
    %dma_start3A_32 = arith.constant 0 : i32
    %dma_start3A_33 = tpu.memref_slice %arg2[%dma_start3A_31, %dma_start3A_32] : memref<100001x32xf32, #tpu.memory_space<hbm>> -> memref<100001x32xf32, #tpu.memory_space<hbm>>
    tpu.enqueue_indirect_dma source(%dma_start3A_33 : memref<100001x32xf32, #tpu.memory_space<hbm>>) target(%dma_start3A_27 : memref<128x32xf32, #tpu.memory_space<vmem>>) offsets(%dma_start3A_30 : memref<128xi32, #tpu.memory_space<vmem>>) semaphore(%arg28 : memref<!tpu.dma_semaphore, #tpu.memory_space<semaphore_mem>>)
    %dma_start3A_34 = arith.constant 3 : i32
    %dma_start3A_35 = arith.constant 384 : i32
    %dma_start3A_36 = arith.constant 0 : i32
    %dma_start3A_37 = tpu.memref_slice %arg27[%dma_start3A_35, %dma_start3A_36] : memref<512x32xf32, #tpu.memory_space<vmem>> -> memref<128x32xf32, #tpu.memory_space<vmem>>
    %dma_start3A_38 = arith.constant 0 : i32
    %dma_start3A_39 = tpu.memref_slice %arg26[%dma_start3A_34, %dma_start3A_38] : memref<4x128xi32, #tpu.memory_space<vmem>> -> memref<1x128xi32, #tpu.memory_space<vmem>>
    %dma_start3A_40 = tpu.memref_squeeze %dma_start3A_39 : memref<1x128xi32, #tpu.memory_space<vmem>> -> memref<128xi32, #tpu.memory_space<vmem>>
    %dma_start3A_41 = arith.constant 0 : i32
    %dma_start3A_42 = arith.constant 0 : i32
    %dma_start3A_43 = tpu.memref_slice %arg2[%dma_start3A_41, %dma_start3A_42] : memref<100001x32xf32, #tpu.memory_space<hbm>> -> memref<100001x32xf32, #tpu.memory_space<hbm>>
    tpu.enqueue_indirect_dma source(%dma_start3A_43 : memref<100001x32xf32, #tpu.memory_space<hbm>>) target(%dma_start3A_37 : memref<128x32xf32, #tpu.memory_space<vmem>>) offsets(%dma_start3A_40 : memref<128xi32, #tpu.memory_space<vmem>>) semaphore(%arg28 : memref<!tpu.dma_semaphore, #tpu.memory_space<semaphore_mem>>)
    %dma_wait3A = arith.constant 0 : i32
    %dma_wait3A_44 = arith.constant 0 : i32
    %dma_wait3A_45 = arith.constant 0 : i32
    %dma_wait3A_46 = tpu.memref_slice %arg27[%dma_wait3A_44, %dma_wait3A_45] : memref<512x32xf32, #tpu.memory_space<vmem>> -> memref<128x32xf32, #tpu.memory_space<vmem>>
    %dma_wait3A_47 = arith.constant 0 : i32
    %dma_wait3A_48 = tpu.memref_slice %arg26[%dma_wait3A, %dma_wait3A_47] : memref<4x128xi32, #tpu.memory_space<vmem>> -> memref<1x128xi32, #tpu.memory_space<vmem>>
    %dma_wait3A_49 = tpu.memref_squeeze %dma_wait3A_48 : memref<1x128xi32, #tpu.memory_space<vmem>> -> memref<128xi32, #tpu.memory_space<vmem>>
    %dma_wait3A_50 = arith.constant 0 : i32
    %dma_wait3A_51 = arith.constant 0 : i32
    %dma_wait3A_52 = tpu.memref_slice %arg2[%dma_wait3A_50, %dma_wait3A_51] : memref<100001x32xf32, #tpu.memory_space<hbm>> -> memref<100001x32xf32, #tpu.memory_space<hbm>>
    tpu.wait_indirect_dma semaphore(%arg28 : memref<!tpu.dma_semaphore, #tpu.memory_space<semaphore_mem>>) src(%dma_wait3A_52 : memref<100001x32xf32, #tpu.memory_space<hbm>>) dst(%dma_wait3A_46 : memref<128x32xf32, #tpu.memory_space<vmem>>)
    %dma_wait3A_53 = arith.constant 1 : i32
    %dma_wait3A_54 = arith.constant 128 : i32
    %dma_wait3A_55 = arith.constant 0 : i32
    %dma_wait3A_56 = tpu.memref_slice %arg27[%dma_wait3A_54, %dma_wait3A_55] : memref<512x32xf32, #tpu.memory_space<vmem>> -> memref<128x32xf32, #tpu.memory_space<vmem>>
    %dma_wait3A_57 = arith.constant 0 : i32
    %dma_wait3A_58 = tpu.memref_slice %arg26[%dma_wait3A_53, %dma_wait3A_57] : memref<4x128xi32, #tpu.memory_space<vmem>> -> memref<1x128xi32, #tpu.memory_space<vmem>>
    %dma_wait3A_59 = tpu.memref_squeeze %dma_wait3A_58 : memref<1x128xi32, #tpu.memory_space<vmem>> -> memref<128xi32, #tpu.memory_space<vmem>>
    %dma_wait3A_60 = arith.constant 0 : i32
    %dma_wait3A_61 = arith.constant 0 : i32
    %dma_wait3A_62 = tpu.memref_slice %arg2[%dma_wait3A_60, %dma_wait3A_61] : memref<100001x32xf32, #tpu.memory_space<hbm>> -> memref<100001x32xf32, #tpu.memory_space<hbm>>
    tpu.wait_indirect_dma semaphore(%arg28 : memref<!tpu.dma_semaphore, #tpu.memory_space<semaphore_mem>>) src(%dma_wait3A_62 : memref<100001x32xf32, #tpu.memory_space<hbm>>) dst(%dma_wait3A_56 : memref<128x32xf32, #tpu.memory_space<vmem>>)
    %dma_wait3A_63 = arith.constant 2 : i32
    %dma_wait3A_64 = arith.constant 256 : i32
    %dma_wait3A_65 = arith.constant 0 : i32
    %dma_wait3A_66 = tpu.memref_slice %arg27[%dma_wait3A_64, %dma_wait3A_65] : memref<512x32xf32, #tpu.memory_space<vmem>> -> memref<128x32xf32, #tpu.memory_space<vmem>>
    %dma_wait3A_67 = arith.constant 0 : i32
    %dma_wait3A_68 = tpu.memref_slice %arg26[%dma_wait3A_63, %dma_wait3A_67] : memref<4x128xi32, #tpu.memory_space<vmem>> -> memref<1x128xi32, #tpu.memory_space<vmem>>
    %dma_wait3A_69 = tpu.memref_squeeze %dma_wait3A_68 : memref<1x128xi32, #tpu.memory_space<vmem>> -> memref<128xi32, #tpu.memory_space<vmem>>
    %dma_wait3A_70 = arith.constant 0 : i32
    %dma_wait3A_71 = arith.constant 0 : i32
    %dma_wait3A_72 = tpu.memref_slice %arg2[%dma_wait3A_70, %dma_wait3A_71] : memref<100001x32xf32, #tpu.memory_space<hbm>> -> memref<100001x32xf32, #tpu.memory_space<hbm>>
    tpu.wait_indirect_dma semaphore(%arg28 : memref<!tpu.dma_semaphore, #tpu.memory_space<semaphore_mem>>) src(%dma_wait3A_72 : memref<100001x32xf32, #tpu.memory_space<hbm>>) dst(%dma_wait3A_66 : memref<128x32xf32, #tpu.memory_space<vmem>>)
    %dma_wait3A_73 = arith.constant 3 : i32
    %dma_wait3A_74 = arith.constant 384 : i32
    %dma_wait3A_75 = arith.constant 0 : i32
    %dma_wait3A_76 = tpu.memref_slice %arg27[%dma_wait3A_74, %dma_wait3A_75] : memref<512x32xf32, #tpu.memory_space<vmem>> -> memref<128x32xf32, #tpu.memory_space<vmem>>
    %dma_wait3A_77 = arith.constant 0 : i32
    %dma_wait3A_78 = tpu.memref_slice %arg26[%dma_wait3A_73, %dma_wait3A_77] : memref<4x128xi32, #tpu.memory_space<vmem>> -> memref<1x128xi32, #tpu.memory_space<vmem>>
    %dma_wait3A_79 = tpu.memref_squeeze %dma_wait3A_78 : memref<1x128xi32, #tpu.memory_space<vmem>> -> memref<128xi32, #tpu.memory_space<vmem>>
    %dma_wait3A_80 = arith.constant 0 : i32
    %dma_wait3A_81 = arith.constant 0 : i32
    %dma_wait3A_82 = tpu.memref_slice %arg2[%dma_wait3A_80, %dma_wait3A_81] : memref<100001x32xf32, #tpu.memory_space<hbm>> -> memref<100001x32xf32, #tpu.memory_space<hbm>>
    tpu.wait_indirect_dma semaphore(%arg28 : memref<!tpu.dma_semaphore, #tpu.memory_space<semaphore_mem>>) src(%dma_wait3A_82 : memref<100001x32xf32, #tpu.memory_space<hbm>>) dst(%dma_wait3A_76 : memref<128x32xf32, #tpu.memory_space<vmem>>)
    "tpu.region"() ({
      %run_scoped3A = tpu.sem_alloc : memref<!tpu.dma_semaphore, #tpu.memory_space<semaphore_mem>>
      %dma_start3A_657 = arith.constant 0 : i32
      %dma_start3A_658 = tpu.memref_slice %arg18[%mul3A_2, %dma_start3A_657] : memref<16384x32xf32, #tpu.memory_space<hbm>> -> memref<512x32xf32, #tpu.memory_space<hbm>>
      %dma_start3A_659 = arith.constant 0 : i32
      %dma_start3A_660 = tpu.memref_slice %arg18[%mul3A_2, %dma_start3A_659] : memref<16384x32xf32, #tpu.memory_space<hbm>> -> memref<512x32xf32, #tpu.memory_space<hbm>>
      tpu.enqueue_dma source(%arg27 : memref<512x32xf32, #tpu.memory_space<vmem>>) target(%dma_start3A_660 : memref<512x32xf32, #tpu.memory_space<hbm>>) target_semaphore(%run_scoped3A : memref<!tpu.dma_semaphore, #tpu.memory_space<semaphore_mem>>)
      %dma_wait3A_661 = arith.constant 0 : i32
      %dma_wait3A_662 = tpu.memref_slice %arg18[%mul3A_2, %dma_wait3A_661] : memref<16384x32xf32, #tpu.memory_space<hbm>> -> memref<512x32xf32, #tpu.memory_space<hbm>>
      %dma_wait3A_663 = arith.constant 0 : i32
      %dma_wait3A_664 = tpu.memref_slice %arg18[%mul3A_2, %dma_wait3A_663] : memref<16384x32xf32, #tpu.memory_space<hbm>> -> memref<512x32xf32, #tpu.memory_space<hbm>>
      tpu.wait_dma2 semaphore(%run_scoped3A : memref<!tpu.dma_semaphore, #tpu.memory_space<semaphore_mem>>) src(%arg27 : memref<512x32xf32, #tpu.memory_space<vmem>>) dst(%dma_wait3A_664 : memref<512x32xf32, #tpu.memory_space<hbm>>)
      tpu.yield
    }) : () -> ()
    %mul3A_83 = arith.constant 4 : i32
    %mul3A_84 = arith.muli %add3A, %mul3A_83 : i32
    "tpu.region"() ({
      %run_scoped3A = tpu.sem_alloc : memref<!tpu.dma_semaphore, #tpu.memory_space<semaphore_mem>>
      %dma_start3A_657 = arith.constant 0 : i32
      %dma_start3A_658 = tpu.memref_slice %arg11[%mul3A_84, %dma_start3A_657] : memref<128x128xi32, #tpu.memory_space<hbm>> -> memref<4x128xi32, #tpu.memory_space<hbm>>
      %dma_start3A_659 = arith.constant 0 : i32
      %dma_start3A_660 = tpu.memref_slice %arg11[%mul3A_84, %dma_start3A_659] : memref<128x128xi32, #tpu.memory_space<hbm>> -> memref<4x128xi32, #tpu.memory_space<hbm>>
      tpu.enqueue_dma source(%dma_start3A_660 : memref<4x128xi32, #tpu.memory_space<hbm>>) target(%arg26 : memref<4x128xi32, #tpu.memory_space<vmem>>) target_semaphore(%run_scoped3A : memref<!tpu.dma_semaphore, #tpu.memory_space<semaphore_mem>>)
      %dma_wait3A_661 = arith.constant 0 : i32
      %dma_wait3A_662 = tpu.memref_slice %arg11[%mul3A_84, %dma_wait3A_661] : memref<128x128xi32, #tpu.memory_space<hbm>> -> memref<4x128xi32, #tpu.memory_space<hbm>>
      %dma_wait3A_663 = arith.constant 0 : i32
      %dma_wait3A_664 = tpu.memref_slice %arg11[%mul3A_84, %dma_wait3A_663] : memref<128x128xi32, #tpu.memory_space<hbm>> -> memref<4x128xi32, #tpu.memory_space<hbm>>
      tpu.wait_dma2 semaphore(%run_scoped3A : memref<!tpu.dma_semaphore, #tpu.memory_space<semaphore_mem>>) src(%dma_wait3A_664 : memref<4x128xi32, #tpu.memory_space<hbm>>) dst(%arg26 : memref<4x128xi32, #tpu.memory_space<vmem>>)
      tpu.yield
    }) : () -> ()
    %dma_start3A_85 = arith.constant 0 : i32
    %dma_start3A_86 = arith.constant 0 : i32
    %dma_start3A_87 = arith.constant 0 : i32
    %dma_start3A_88 = tpu.memref_slice %arg27[%dma_start3A_86, %dma_start3A_87] : memref<512x32xf32, #tpu.memory_space<vmem>> -> memref<128x32xf32, #tpu.memory_space<vmem>>
    %dma_start3A_89 = arith.constant 0 : i32
    %dma_start3A_90 = tpu.memref_slice %arg26[%dma_start3A_85, %dma_start3A_89] : memref<4x128xi32, #tpu.memory_space<vmem>> -> memref<1x128xi32, #tpu.memory_space<vmem>>
    %dma_start3A_91 = tpu.memref_squeeze %dma_start3A_90 : memref<1x128xi32, #tpu.memory_space<vmem>> -> memref<128xi32, #tpu.memory_space<vmem>>
    %dma_start3A_92 = arith.constant 0 : i32
    %dma_start3A_93 = arith.constant 0 : i32
    %dma_start3A_94 = tpu.memref_slice %arg3[%dma_start3A_92, %dma_start3A_93] : memref<101x32xf32, #tpu.memory_space<hbm>> -> memref<101x32xf32, #tpu.memory_space<hbm>>
    tpu.enqueue_indirect_dma source(%dma_start3A_94 : memref<101x32xf32, #tpu.memory_space<hbm>>) target(%dma_start3A_88 : memref<128x32xf32, #tpu.memory_space<vmem>>) offsets(%dma_start3A_91 : memref<128xi32, #tpu.memory_space<vmem>>) semaphore(%arg28 : memref<!tpu.dma_semaphore, #tpu.memory_space<semaphore_mem>>)
    %dma_start3A_95 = arith.constant 1 : i32
    %dma_start3A_96 = arith.constant 128 : i32
    %dma_start3A_97 = arith.constant 0 : i32
    %dma_start3A_98 = tpu.memref_slice %arg27[%dma_start3A_96, %dma_start3A_97] : memref<512x32xf32, #tpu.memory_space<vmem>> -> memref<128x32xf32, #tpu.memory_space<vmem>>
    %dma_start3A_99 = arith.constant 0 : i32
    %dma_start3A_100 = tpu.memref_slice %arg26[%dma_start3A_95, %dma_start3A_99] : memref<4x128xi32, #tpu.memory_space<vmem>> -> memref<1x128xi32, #tpu.memory_space<vmem>>
    %dma_start3A_101 = tpu.memref_squeeze %dma_start3A_100 : memref<1x128xi32, #tpu.memory_space<vmem>> -> memref<128xi32, #tpu.memory_space<vmem>>
    %dma_start3A_102 = arith.constant 0 : i32
    %dma_start3A_103 = arith.constant 0 : i32
    %dma_start3A_104 = tpu.memref_slice %arg3[%dma_start3A_102, %dma_start3A_103] : memref<101x32xf32, #tpu.memory_space<hbm>> -> memref<101x32xf32, #tpu.memory_space<hbm>>
    tpu.enqueue_indirect_dma source(%dma_start3A_104 : memref<101x32xf32, #tpu.memory_space<hbm>>) target(%dma_start3A_98 : memref<128x32xf32, #tpu.memory_space<vmem>>) offsets(%dma_start3A_101 : memref<128xi32, #tpu.memory_space<vmem>>) semaphore(%arg28 : memref<!tpu.dma_semaphore, #tpu.memory_space<semaphore_mem>>)
    %dma_start3A_105 = arith.constant 2 : i32
    %dma_start3A_106 = arith.constant 256 : i32
    %dma_start3A_107 = arith.constant 0 : i32
    %dma_start3A_108 = tpu.memref_slice %arg27[%dma_start3A_106, %dma_start3A_107] : memref<512x32xf32, #tpu.memory_space<vmem>> -> memref<128x32xf32, #tpu.memory_space<vmem>>
    %dma_start3A_109 = arith.constant 0 : i32
    %dma_start3A_110 = tpu.memref_slice %arg26[%dma_start3A_105, %dma_start3A_109] : memref<4x128xi32, #tpu.memory_space<vmem>> -> memref<1x128xi32, #tpu.memory_space<vmem>>
    %dma_start3A_111 = tpu.memref_squeeze %dma_start3A_110 : memref<1x128xi32, #tpu.memory_space<vmem>> -> memref<128xi32, #tpu.memory_space<vmem>>
    %dma_start3A_112 = arith.constant 0 : i32
    %dma_start3A_113 = arith.constant 0 : i32
    %dma_start3A_114 = tpu.memref_slice %arg3[%dma_start3A_112, %dma_start3A_113] : memref<101x32xf32, #tpu.memory_space<hbm>> -> memref<101x32xf32, #tpu.memory_space<hbm>>
    tpu.enqueue_indirect_dma source(%dma_start3A_114 : memref<101x32xf32, #tpu.memory_space<hbm>>) target(%dma_start3A_108 : memref<128x32xf32, #tpu.memory_space<vmem>>) offsets(%dma_start3A_111 : memref<128xi32, #tpu.memory_space<vmem>>) semaphore(%arg28 : memref<!tpu.dma_semaphore, #tpu.memory_space<semaphore_mem>>)
    %dma_start3A_115 = arith.constant 3 : i32
    %dma_start3A_116 = arith.constant 384 : i32
    %dma_start3A_117 = arith.constant 0 : i32
    %dma_start3A_118 = tpu.memref_slice %arg27[%dma_start3A_116, %dma_start3A_117] : memref<512x32xf32, #tpu.memory_space<vmem>> -> memref<128x32xf32, #tpu.memory_space<vmem>>
    %dma_start3A_119 = arith.constant 0 : i32
    %dma_start3A_120 = tpu.memref_slice %arg26[%dma_start3A_115, %dma_start3A_119] : memref<4x128xi32, #tpu.memory_space<vmem>> -> memref<1x128xi32, #tpu.memory_space<vmem>>
    %dma_start3A_121 = tpu.memref_squeeze %dma_start3A_120 : memref<1x128xi32, #tpu.memory_space<vmem>> -> memref<128xi32, #tpu.memory_space<vmem>>
    %dma_start3A_122 = arith.constant 0 : i32
    %dma_start3A_123 = arith.constant 0 : i32
    %dma_start3A_124 = tpu.memref_slice %arg3[%dma_start3A_122, %dma_start3A_123] : memref<101x32xf32, #tpu.memory_space<hbm>> -> memref<101x32xf32, #tpu.memory_space<hbm>>
    tpu.enqueue_indirect_dma source(%dma_start3A_124 : memref<101x32xf32, #tpu.memory_space<hbm>>) target(%dma_start3A_118 : memref<128x32xf32, #tpu.memory_space<vmem>>) offsets(%dma_start3A_121 : memref<128xi32, #tpu.memory_space<vmem>>) semaphore(%arg28 : memref<!tpu.dma_semaphore, #tpu.memory_space<semaphore_mem>>)
    %dma_wait3A_125 = arith.constant 0 : i32
    %dma_wait3A_126 = arith.constant 0 : i32
    %dma_wait3A_127 = arith.constant 0 : i32
    %dma_wait3A_128 = tpu.memref_slice %arg27[%dma_wait3A_126, %dma_wait3A_127] : memref<512x32xf32, #tpu.memory_space<vmem>> -> memref<128x32xf32, #tpu.memory_space<vmem>>
    %dma_wait3A_129 = arith.constant 0 : i32
    %dma_wait3A_130 = tpu.memref_slice %arg26[%dma_wait3A_125, %dma_wait3A_129] : memref<4x128xi32, #tpu.memory_space<vmem>> -> memref<1x128xi32, #tpu.memory_space<vmem>>
    %dma_wait3A_131 = tpu.memref_squeeze %dma_wait3A_130 : memref<1x128xi32, #tpu.memory_space<vmem>> -> memref<128xi32, #tpu.memory_space<vmem>>
    %dma_wait3A_132 = arith.constant 0 : i32
    %dma_wait3A_133 = arith.constant 0 : i32
    %dma_wait3A_134 = tpu.memref_slice %arg3[%dma_wait3A_132, %dma_wait3A_133] : memref<101x32xf32, #tpu.memory_space<hbm>> -> memref<101x32xf32, #tpu.memory_space<hbm>>
    tpu.wait_indirect_dma semaphore(%arg28 : memref<!tpu.dma_semaphore, #tpu.memory_space<semaphore_mem>>) src(%dma_wait3A_134 : memref<101x32xf32, #tpu.memory_space<hbm>>) dst(%dma_wait3A_128 : memref<128x32xf32, #tpu.memory_space<vmem>>)
    %dma_wait3A_135 = arith.constant 1 : i32
    %dma_wait3A_136 = arith.constant 128 : i32
    %dma_wait3A_137 = arith.constant 0 : i32
    %dma_wait3A_138 = tpu.memref_slice %arg27[%dma_wait3A_136, %dma_wait3A_137] : memref<512x32xf32, #tpu.memory_space<vmem>> -> memref<128x32xf32, #tpu.memory_space<vmem>>
    %dma_wait3A_139 = arith.constant 0 : i32
    %dma_wait3A_140 = tpu.memref_slice %arg26[%dma_wait3A_135, %dma_wait3A_139] : memref<4x128xi32, #tpu.memory_space<vmem>> -> memref<1x128xi32, #tpu.memory_space<vmem>>
    %dma_wait3A_141 = tpu.memref_squeeze %dma_wait3A_140 : memref<1x128xi32, #tpu.memory_space<vmem>> -> memref<128xi32, #tpu.memory_space<vmem>>
    %dma_wait3A_142 = arith.constant 0 : i32
    %dma_wait3A_143 = arith.constant 0 : i32
    %dma_wait3A_144 = tpu.memref_slice %arg3[%dma_wait3A_142, %dma_wait3A_143] : memref<101x32xf32, #tpu.memory_space<hbm>> -> memref<101x32xf32, #tpu.memory_space<hbm>>
    tpu.wait_indirect_dma semaphore(%arg28 : memref<!tpu.dma_semaphore, #tpu.memory_space<semaphore_mem>>) src(%dma_wait3A_144 : memref<101x32xf32, #tpu.memory_space<hbm>>) dst(%dma_wait3A_138 : memref<128x32xf32, #tpu.memory_space<vmem>>)
    %dma_wait3A_145 = arith.constant 2 : i32
    %dma_wait3A_146 = arith.constant 256 : i32
    %dma_wait3A_147 = arith.constant 0 : i32
    %dma_wait3A_148 = tpu.memref_slice %arg27[%dma_wait3A_146, %dma_wait3A_147] : memref<512x32xf32, #tpu.memory_space<vmem>> -> memref<128x32xf32, #tpu.memory_space<vmem>>
    %dma_wait3A_149 = arith.constant 0 : i32
    %dma_wait3A_150 = tpu.memref_slice %arg26[%dma_wait3A_145, %dma_wait3A_149] : memref<4x128xi32, #tpu.memory_space<vmem>> -> memref<1x128xi32, #tpu.memory_space<vmem>>
    %dma_wait3A_151 = tpu.memref_squeeze %dma_wait3A_150 : memref<1x128xi32, #tpu.memory_space<vmem>> -> memref<128xi32, #tpu.memory_space<vmem>>
    %dma_wait3A_152 = arith.constant 0 : i32
    %dma_wait3A_153 = arith.constant 0 : i32
    %dma_wait3A_154 = tpu.memref_slice %arg3[%dma_wait3A_152, %dma_wait3A_153] : memref<101x32xf32, #tpu.memory_space<hbm>> -> memref<101x32xf32, #tpu.memory_space<hbm>>
    tpu.wait_indirect_dma semaphore(%arg28 : memref<!tpu.dma_semaphore, #tpu.memory_space<semaphore_mem>>) src(%dma_wait3A_154 : memref<101x32xf32, #tpu.memory_space<hbm>>) dst(%dma_wait3A_148 : memref<128x32xf32, #tpu.memory_space<vmem>>)
    %dma_wait3A_155 = arith.constant 3 : i32
    %dma_wait3A_156 = arith.constant 384 : i32
    %dma_wait3A_157 = arith.constant 0 : i32
    %dma_wait3A_158 = tpu.memref_slice %arg27[%dma_wait3A_156, %dma_wait3A_157] : memref<512x32xf32, #tpu.memory_space<vmem>> -> memref<128x32xf32, #tpu.memory_space<vmem>>
    %dma_wait3A_159 = arith.constant 0 : i32
    %dma_wait3A_160 = tpu.memref_slice %arg26[%dma_wait3A_155, %dma_wait3A_159] : memref<4x128xi32, #tpu.memory_space<vmem>> -> memref<1x128xi32, #tpu.memory_space<vmem>>
    %dma_wait3A_161 = tpu.memref_squeeze %dma_wait3A_160 : memref<1x128xi32, #tpu.memory_space<vmem>> -> memref<128xi32, #tpu.memory_space<vmem>>
    %dma_wait3A_162 = arith.constant 0 : i32
    %dma_wait3A_163 = arith.constant 0 : i32
    %dma_wait3A_164 = tpu.memref_slice %arg3[%dma_wait3A_162, %dma_wait3A_163] : memref<101x32xf32, #tpu.memory_space<hbm>> -> memref<101x32xf32, #tpu.memory_space<hbm>>
    tpu.wait_indirect_dma semaphore(%arg28 : memref<!tpu.dma_semaphore, #tpu.memory_space<semaphore_mem>>) src(%dma_wait3A_164 : memref<101x32xf32, #tpu.memory_space<hbm>>) dst(%dma_wait3A_158 : memref<128x32xf32, #tpu.memory_space<vmem>>)
    "tpu.region"() ({
      %run_scoped3A = tpu.sem_alloc : memref<!tpu.dma_semaphore, #tpu.memory_space<semaphore_mem>>
      %dma_start3A_657 = arith.constant 0 : i32
      %dma_start3A_658 = tpu.memref_slice %arg19[%mul3A_2, %dma_start3A_657] : memref<16384x32xf32, #tpu.memory_space<hbm>> -> memref<512x32xf32, #tpu.memory_space<hbm>>
      %dma_start3A_659 = arith.constant 0 : i32
      %dma_start3A_660 = tpu.memref_slice %arg19[%mul3A_2, %dma_start3A_659] : memref<16384x32xf32, #tpu.memory_space<hbm>> -> memref<512x32xf32, #tpu.memory_space<hbm>>
      tpu.enqueue_dma source(%arg27 : memref<512x32xf32, #tpu.memory_space<vmem>>) target(%dma_start3A_660 : memref<512x32xf32, #tpu.memory_space<hbm>>) target_semaphore(%run_scoped3A : memref<!tpu.dma_semaphore, #tpu.memory_space<semaphore_mem>>)
      %dma_wait3A_661 = arith.constant 0 : i32
      %dma_wait3A_662 = tpu.memref_slice %arg19[%mul3A_2, %dma_wait3A_661] : memref<16384x32xf32, #tpu.memory_space<hbm>> -> memref<512x32xf32, #tpu.memory_space<hbm>>
      %dma_wait3A_663 = arith.constant 0 : i32
      %dma_wait3A_664 = tpu.memref_slice %arg19[%mul3A_2, %dma_wait3A_663] : memref<16384x32xf32, #tpu.memory_space<hbm>> -> memref<512x32xf32, #tpu.memory_space<hbm>>
      tpu.wait_dma2 semaphore(%run_scoped3A : memref<!tpu.dma_semaphore, #tpu.memory_space<semaphore_mem>>) src(%arg27 : memref<512x32xf32, #tpu.memory_space<vmem>>) dst(%dma_wait3A_664 : memref<512x32xf32, #tpu.memory_space<hbm>>)
      tpu.yield
    }) : () -> ()
    %mul3A_165 = arith.constant 4 : i32
    %mul3A_166 = arith.muli %add3A, %mul3A_165 : i32
    "tpu.region"() ({
      %run_scoped3A = tpu.sem_alloc : memref<!tpu.dma_semaphore, #tpu.memory_space<semaphore_mem>>
      %dma_start3A_657 = arith.constant 0 : i32
      %dma_start3A_658 = tpu.memref_slice %arg12[%mul3A_166, %dma_start3A_657] : memref<128x128xi32, #tpu.memory_space<hbm>> -> memref<4x128xi32, #tpu.memory_space<hbm>>
      %dma_start3A_659 = arith.constant 0 : i32
      %dma_start3A_660 = tpu.memref_slice %arg12[%mul3A_166, %dma_start3A_659] : memref<128x128xi32, #tpu.memory_space<hbm>> -> memref<4x128xi32, #tpu.memory_space<hbm>>
      tpu.enqueue_dma source(%dma_start3A_660 : memref<4x128xi32, #tpu.memory_space<hbm>>) target(%arg26 : memref<4x128xi32, #tpu.memory_space<vmem>>) target_semaphore(%run_scoped3A : memref<!tpu.dma_semaphore, #tpu.memory_space<semaphore_mem>>)
      %dma_wait3A_661 = arith.constant 0 : i32
      %dma_wait3A_662 = tpu.memref_slice %arg12[%mul3A_166, %dma_wait3A_661] : memref<128x128xi32, #tpu.memory_space<hbm>> -> memref<4x128xi32, #tpu.memory_space<hbm>>
      %dma_wait3A_663 = arith.constant 0 : i32
      %dma_wait3A_664 = tpu.memref_slice %arg12[%mul3A_166, %dma_wait3A_663] : memref<128x128xi32, #tpu.memory_space<hbm>> -> memref<4x128xi32, #tpu.memory_space<hbm>>
      tpu.wait_dma2 semaphore(%run_scoped3A : memref<!tpu.dma_semaphore, #tpu.memory_space<semaphore_mem>>) src(%dma_wait3A_664 : memref<4x128xi32, #tpu.memory_space<hbm>>) dst(%arg26 : memref<4x128xi32, #tpu.memory_space<vmem>>)
      tpu.yield
    }) : () -> ()
    %dma_start3A_167 = arith.constant 0 : i32
    %dma_start3A_168 = arith.constant 0 : i32
    %dma_start3A_169 = arith.constant 0 : i32
    %dma_start3A_170 = tpu.memref_slice %arg27[%dma_start3A_168, %dma_start3A_169] : memref<512x32xf32, #tpu.memory_space<vmem>> -> memref<128x32xf32, #tpu.memory_space<vmem>>
    %dma_start3A_171 = arith.constant 0 : i32
    %dma_start3A_172 = tpu.memref_slice %arg26[%dma_start3A_167, %dma_start3A_171] : memref<4x128xi32, #tpu.memory_space<vmem>> -> memref<1x128xi32, #tpu.memory_space<vmem>>
    %dma_start3A_173 = tpu.memref_squeeze %dma_start3A_172 : memref<1x128xi32, #tpu.memory_space<vmem>> -> memref<128xi32, #tpu.memory_space<vmem>>
    %dma_start3A_174 = arith.constant 0 : i32
    %dma_start3A_175 = arith.constant 0 : i32
    %dma_start3A_176 = tpu.memref_slice %arg4[%dma_start3A_174, %dma_start3A_175] : memref<5x32xf32, #tpu.memory_space<hbm>> -> memref<5x32xf32, #tpu.memory_space<hbm>>
    tpu.enqueue_indirect_dma source(%dma_start3A_176 : memref<5x32xf32, #tpu.memory_space<hbm>>) target(%dma_start3A_170 : memref<128x32xf32, #tpu.memory_space<vmem>>) offsets(%dma_start3A_173 : memref<128xi32, #tpu.memory_space<vmem>>) semaphore(%arg28 : memref<!tpu.dma_semaphore, #tpu.memory_space<semaphore_mem>>)
    %dma_start3A_177 = arith.constant 1 : i32
    %dma_start3A_178 = arith.constant 128 : i32
    %dma_start3A_179 = arith.constant 0 : i32
    %dma_start3A_180 = tpu.memref_slice %arg27[%dma_start3A_178, %dma_start3A_179] : memref<512x32xf32, #tpu.memory_space<vmem>> -> memref<128x32xf32, #tpu.memory_space<vmem>>
    %dma_start3A_181 = arith.constant 0 : i32
    %dma_start3A_182 = tpu.memref_slice %arg26[%dma_start3A_177, %dma_start3A_181] : memref<4x128xi32, #tpu.memory_space<vmem>> -> memref<1x128xi32, #tpu.memory_space<vmem>>
    %dma_start3A_183 = tpu.memref_squeeze %dma_start3A_182 : memref<1x128xi32, #tpu.memory_space<vmem>> -> memref<128xi32, #tpu.memory_space<vmem>>
    %dma_start3A_184 = arith.constant 0 : i32
    %dma_start3A_185 = arith.constant 0 : i32
    %dma_start3A_186 = tpu.memref_slice %arg4[%dma_start3A_184, %dma_start3A_185] : memref<5x32xf32, #tpu.memory_space<hbm>> -> memref<5x32xf32, #tpu.memory_space<hbm>>
    tpu.enqueue_indirect_dma source(%dma_start3A_186 : memref<5x32xf32, #tpu.memory_space<hbm>>) target(%dma_start3A_180 : memref<128x32xf32, #tpu.memory_space<vmem>>) offsets(%dma_start3A_183 : memref<128xi32, #tpu.memory_space<vmem>>) semaphore(%arg28 : memref<!tpu.dma_semaphore, #tpu.memory_space<semaphore_mem>>)
    %dma_start3A_187 = arith.constant 2 : i32
    %dma_start3A_188 = arith.constant 256 : i32
    %dma_start3A_189 = arith.constant 0 : i32
    %dma_start3A_190 = tpu.memref_slice %arg27[%dma_start3A_188, %dma_start3A_189] : memref<512x32xf32, #tpu.memory_space<vmem>> -> memref<128x32xf32, #tpu.memory_space<vmem>>
    %dma_start3A_191 = arith.constant 0 : i32
    %dma_start3A_192 = tpu.memref_slice %arg26[%dma_start3A_187, %dma_start3A_191] : memref<4x128xi32, #tpu.memory_space<vmem>> -> memref<1x128xi32, #tpu.memory_space<vmem>>
    %dma_start3A_193 = tpu.memref_squeeze %dma_start3A_192 : memref<1x128xi32, #tpu.memory_space<vmem>> -> memref<128xi32, #tpu.memory_space<vmem>>
    %dma_start3A_194 = arith.constant 0 : i32
    %dma_start3A_195 = arith.constant 0 : i32
    %dma_start3A_196 = tpu.memref_slice %arg4[%dma_start3A_194, %dma_start3A_195] : memref<5x32xf32, #tpu.memory_space<hbm>> -> memref<5x32xf32, #tpu.memory_space<hbm>>
    tpu.enqueue_indirect_dma source(%dma_start3A_196 : memref<5x32xf32, #tpu.memory_space<hbm>>) target(%dma_start3A_190 : memref<128x32xf32, #tpu.memory_space<vmem>>) offsets(%dma_start3A_193 : memref<128xi32, #tpu.memory_space<vmem>>) semaphore(%arg28 : memref<!tpu.dma_semaphore, #tpu.memory_space<semaphore_mem>>)
    %dma_start3A_197 = arith.constant 3 : i32
    %dma_start3A_198 = arith.constant 384 : i32
    %dma_start3A_199 = arith.constant 0 : i32
    %dma_start3A_200 = tpu.memref_slice %arg27[%dma_start3A_198, %dma_start3A_199] : memref<512x32xf32, #tpu.memory_space<vmem>> -> memref<128x32xf32, #tpu.memory_space<vmem>>
    %dma_start3A_201 = arith.constant 0 : i32
    %dma_start3A_202 = tpu.memref_slice %arg26[%dma_start3A_197, %dma_start3A_201] : memref<4x128xi32, #tpu.memory_space<vmem>> -> memref<1x128xi32, #tpu.memory_space<vmem>>
    %dma_start3A_203 = tpu.memref_squeeze %dma_start3A_202 : memref<1x128xi32, #tpu.memory_space<vmem>> -> memref<128xi32, #tpu.memory_space<vmem>>
    %dma_start3A_204 = arith.constant 0 : i32
    %dma_start3A_205 = arith.constant 0 : i32
    %dma_start3A_206 = tpu.memref_slice %arg4[%dma_start3A_204, %dma_start3A_205] : memref<5x32xf32, #tpu.memory_space<hbm>> -> memref<5x32xf32, #tpu.memory_space<hbm>>
    tpu.enqueue_indirect_dma source(%dma_start3A_206 : memref<5x32xf32, #tpu.memory_space<hbm>>) target(%dma_start3A_200 : memref<128x32xf32, #tpu.memory_space<vmem>>) offsets(%dma_start3A_203 : memref<128xi32, #tpu.memory_space<vmem>>) semaphore(%arg28 : memref<!tpu.dma_semaphore, #tpu.memory_space<semaphore_mem>>)
    %dma_wait3A_207 = arith.constant 0 : i32
    %dma_wait3A_208 = arith.constant 0 : i32
    %dma_wait3A_209 = arith.constant 0 : i32
    %dma_wait3A_210 = tpu.memref_slice %arg27[%dma_wait3A_208, %dma_wait3A_209] : memref<512x32xf32, #tpu.memory_space<vmem>> -> memref<128x32xf32, #tpu.memory_space<vmem>>
    %dma_wait3A_211 = arith.constant 0 : i32
    %dma_wait3A_212 = tpu.memref_slice %arg26[%dma_wait3A_207, %dma_wait3A_211] : memref<4x128xi32, #tpu.memory_space<vmem>> -> memref<1x128xi32, #tpu.memory_space<vmem>>
    %dma_wait3A_213 = tpu.memref_squeeze %dma_wait3A_212 : memref<1x128xi32, #tpu.memory_space<vmem>> -> memref<128xi32, #tpu.memory_space<vmem>>
    %dma_wait3A_214 = arith.constant 0 : i32
    %dma_wait3A_215 = arith.constant 0 : i32
    %dma_wait3A_216 = tpu.memref_slice %arg4[%dma_wait3A_214, %dma_wait3A_215] : memref<5x32xf32, #tpu.memory_space<hbm>> -> memref<5x32xf32, #tpu.memory_space<hbm>>
    tpu.wait_indirect_dma semaphore(%arg28 : memref<!tpu.dma_semaphore, #tpu.memory_space<semaphore_mem>>) src(%dma_wait3A_216 : memref<5x32xf32, #tpu.memory_space<hbm>>) dst(%dma_wait3A_210 : memref<128x32xf32, #tpu.memory_space<vmem>>)
    %dma_wait3A_217 = arith.constant 1 : i32
    %dma_wait3A_218 = arith.constant 128 : i32
    %dma_wait3A_219 = arith.constant 0 : i32
    %dma_wait3A_220 = tpu.memref_slice %arg27[%dma_wait3A_218, %dma_wait3A_219] : memref<512x32xf32, #tpu.memory_space<vmem>> -> memref<128x32xf32, #tpu.memory_space<vmem>>
    %dma_wait3A_221 = arith.constant 0 : i32
    %dma_wait3A_222 = tpu.memref_slice %arg26[%dma_wait3A_217, %dma_wait3A_221] : memref<4x128xi32, #tpu.memory_space<vmem>> -> memref<1x128xi32, #tpu.memory_space<vmem>>
    %dma_wait3A_223 = tpu.memref_squeeze %dma_wait3A_222 : memref<1x128xi32, #tpu.memory_space<vmem>> -> memref<128xi32, #tpu.memory_space<vmem>>
    %dma_wait3A_224 = arith.constant 0 : i32
    %dma_wait3A_225 = arith.constant 0 : i32
    %dma_wait3A_226 = tpu.memref_slice %arg4[%dma_wait3A_224, %dma_wait3A_225] : memref<5x32xf32, #tpu.memory_space<hbm>> -> memref<5x32xf32, #tpu.memory_space<hbm>>
    tpu.wait_indirect_dma semaphore(%arg28 : memref<!tpu.dma_semaphore, #tpu.memory_space<semaphore_mem>>) src(%dma_wait3A_226 : memref<5x32xf32, #tpu.memory_space<hbm>>) dst(%dma_wait3A_220 : memref<128x32xf32, #tpu.memory_space<vmem>>)
    %dma_wait3A_227 = arith.constant 2 : i32
    %dma_wait3A_228 = arith.constant 256 : i32
    %dma_wait3A_229 = arith.constant 0 : i32
    %dma_wait3A_230 = tpu.memref_slice %arg27[%dma_wait3A_228, %dma_wait3A_229] : memref<512x32xf32, #tpu.memory_space<vmem>> -> memref<128x32xf32, #tpu.memory_space<vmem>>
    %dma_wait3A_231 = arith.constant 0 : i32
    %dma_wait3A_232 = tpu.memref_slice %arg26[%dma_wait3A_227, %dma_wait3A_231] : memref<4x128xi32, #tpu.memory_space<vmem>> -> memref<1x128xi32, #tpu.memory_space<vmem>>
    %dma_wait3A_233 = tpu.memref_squeeze %dma_wait3A_232 : memref<1x128xi32, #tpu.memory_space<vmem>> -> memref<128xi32, #tpu.memory_space<vmem>>
    %dma_wait3A_234 = arith.constant 0 : i32
    %dma_wait3A_235 = arith.constant 0 : i32
    %dma_wait3A_236 = tpu.memref_slice %arg4[%dma_wait3A_234, %dma_wait3A_235] : memref<5x32xf32, #tpu.memory_space<hbm>> -> memref<5x32xf32, #tpu.memory_space<hbm>>
    tpu.wait_indirect_dma semaphore(%arg28 : memref<!tpu.dma_semaphore, #tpu.memory_space<semaphore_mem>>) src(%dma_wait3A_236 : memref<5x32xf32, #tpu.memory_space<hbm>>) dst(%dma_wait3A_230 : memref<128x32xf32, #tpu.memory_space<vmem>>)
    %dma_wait3A_237 = arith.constant 3 : i32
    %dma_wait3A_238 = arith.constant 384 : i32
    %dma_wait3A_239 = arith.constant 0 : i32
    %dma_wait3A_240 = tpu.memref_slice %arg27[%dma_wait3A_238, %dma_wait3A_239] : memref<512x32xf32, #tpu.memory_space<vmem>> -> memref<128x32xf32, #tpu.memory_space<vmem>>
    %dma_wait3A_241 = arith.constant 0 : i32
    %dma_wait3A_242 = tpu.memref_slice %arg26[%dma_wait3A_237, %dma_wait3A_241] : memref<4x128xi32, #tpu.memory_space<vmem>> -> memref<1x128xi32, #tpu.memory_space<vmem>>
    %dma_wait3A_243 = tpu.memref_squeeze %dma_wait3A_242 : memref<1x128xi32, #tpu.memory_space<vmem>> -> memref<128xi32, #tpu.memory_space<vmem>>
    %dma_wait3A_244 = arith.constant 0 : i32
    %dma_wait3A_245 = arith.constant 0 : i32
    %dma_wait3A_246 = tpu.memref_slice %arg4[%dma_wait3A_244, %dma_wait3A_245] : memref<5x32xf32, #tpu.memory_space<hbm>> -> memref<5x32xf32, #tpu.memory_space<hbm>>
    tpu.wait_indirect_dma semaphore(%arg28 : memref<!tpu.dma_semaphore, #tpu.memory_space<semaphore_mem>>) src(%dma_wait3A_246 : memref<5x32xf32, #tpu.memory_space<hbm>>) dst(%dma_wait3A_240 : memref<128x32xf32, #tpu.memory_space<vmem>>)
    "tpu.region"() ({
      %run_scoped3A = tpu.sem_alloc : memref<!tpu.dma_semaphore, #tpu.memory_space<semaphore_mem>>
      %dma_start3A_657 = arith.constant 0 : i32
      %dma_start3A_658 = tpu.memref_slice %arg20[%mul3A_2, %dma_start3A_657] : memref<16384x32xf32, #tpu.memory_space<hbm>> -> memref<512x32xf32, #tpu.memory_space<hbm>>
      %dma_start3A_659 = arith.constant 0 : i32
      %dma_start3A_660 = tpu.memref_slice %arg20[%mul3A_2, %dma_start3A_659] : memref<16384x32xf32, #tpu.memory_space<hbm>> -> memref<512x32xf32, #tpu.memory_space<hbm>>
      tpu.enqueue_dma source(%arg27 : memref<512x32xf32, #tpu.memory_space<vmem>>) target(%dma_start3A_660 : memref<512x32xf32, #tpu.memory_space<hbm>>) target_semaphore(%run_scoped3A : memref<!tpu.dma_semaphore, #tpu.memory_space<semaphore_mem>>)
      %dma_wait3A_661 = arith.constant 0 : i32
      %dma_wait3A_662 = tpu.memref_slice %arg20[%mul3A_2, %dma_wait3A_661] : memref<16384x32xf32, #tpu.memory_space<hbm>> -> memref<512x32xf32, #tpu.memory_space<hbm>>
      %dma_wait3A_663 = arith.constant 0 : i32
      %dma_wait3A_664 = tpu.memref_slice %arg20[%mul3A_2, %dma_wait3A_663] : memref<16384x32xf32, #tpu.memory_space<hbm>> -> memref<512x32xf32, #tpu.memory_space<hbm>>
      tpu.wait_dma2 semaphore(%run_scoped3A : memref<!tpu.dma_semaphore, #tpu.memory_space<semaphore_mem>>) src(%arg27 : memref<512x32xf32, #tpu.memory_space<vmem>>) dst(%dma_wait3A_664 : memref<512x32xf32, #tpu.memory_space<hbm>>)
      tpu.yield
    }) : () -> ()
    %mul3A_247 = arith.constant 4 : i32
    %mul3A_248 = arith.muli %add3A, %mul3A_247 : i32
    "tpu.region"() ({
      %run_scoped3A = tpu.sem_alloc : memref<!tpu.dma_semaphore, #tpu.memory_space<semaphore_mem>>
      %dma_start3A_657 = arith.constant 0 : i32
      %dma_start3A_658 = tpu.memref_slice %arg13[%mul3A_248, %dma_start3A_657] : memref<128x128xi32, #tpu.memory_space<hbm>> -> memref<4x128xi32, #tpu.memory_space<hbm>>
      %dma_start3A_659 = arith.constant 0 : i32
      %dma_start3A_660 = tpu.memref_slice %arg13[%mul3A_248, %dma_start3A_659] : memref<128x128xi32, #tpu.memory_space<hbm>> -> memref<4x128xi32, #tpu.memory_space<hbm>>
      tpu.enqueue_dma source(%dma_start3A_660 : memref<4x128xi32, #tpu.memory_space<hbm>>) target(%arg26 : memref<4x128xi32, #tpu.memory_space<vmem>>) target_semaphore(%run_scoped3A : memref<!tpu.dma_semaphore, #tpu.memory_space<semaphore_mem>>)
      %dma_wait3A_661 = arith.constant 0 : i32
      %dma_wait3A_662 = tpu.memref_slice %arg13[%mul3A_248, %dma_wait3A_661] : memref<128x128xi32, #tpu.memory_space<hbm>> -> memref<4x128xi32, #tpu.memory_space<hbm>>
      %dma_wait3A_663 = arith.constant 0 : i32
      %dma_wait3A_664 = tpu.memref_slice %arg13[%mul3A_248, %dma_wait3A_663] : memref<128x128xi32, #tpu.memory_space<hbm>> -> memref<4x128xi32, #tpu.memory_space<hbm>>
      tpu.wait_dma2 semaphore(%run_scoped3A : memref<!tpu.dma_semaphore, #tpu.memory_space<semaphore_mem>>) src(%dma_wait3A_664 : memref<4x128xi32, #tpu.memory_space<hbm>>) dst(%arg26 : memref<4x128xi32, #tpu.memory_space<vmem>>)
      tpu.yield
    }) : () -> ()
    %dma_start3A_249 = arith.constant 0 : i32
    %dma_start3A_250 = arith.constant 0 : i32
    %dma_start3A_251 = arith.constant 0 : i32
    %dma_start3A_252 = tpu.memref_slice %arg27[%dma_start3A_250, %dma_start3A_251] : memref<512x32xf32, #tpu.memory_space<vmem>> -> memref<128x32xf32, #tpu.memory_space<vmem>>
    %dma_start3A_253 = arith.constant 0 : i32
    %dma_start3A_254 = tpu.memref_slice %arg26[%dma_start3A_249, %dma_start3A_253] : memref<4x128xi32, #tpu.memory_space<vmem>> -> memref<1x128xi32, #tpu.memory_space<vmem>>
    %dma_start3A_255 = tpu.memref_squeeze %dma_start3A_254 : memref<1x128xi32, #tpu.memory_space<vmem>> -> memref<128xi32, #tpu.memory_space<vmem>>
    %dma_start3A_256 = arith.constant 0 : i32
    %dma_start3A_257 = arith.constant 0 : i32
    %dma_start3A_258 = tpu.memref_slice %arg5[%dma_start3A_256, %dma_start3A_257] : memref<1001x32xf32, #tpu.memory_space<hbm>> -> memref<1001x32xf32, #tpu.memory_space<hbm>>
    tpu.enqueue_indirect_dma source(%dma_start3A_258 : memref<1001x32xf32, #tpu.memory_space<hbm>>) target(%dma_start3A_252 : memref<128x32xf32, #tpu.memory_space<vmem>>) offsets(%dma_start3A_255 : memref<128xi32, #tpu.memory_space<vmem>>) semaphore(%arg28 : memref<!tpu.dma_semaphore, #tpu.memory_space<semaphore_mem>>)
    %dma_start3A_259 = arith.constant 1 : i32
    %dma_start3A_260 = arith.constant 128 : i32
    %dma_start3A_261 = arith.constant 0 : i32
    %dma_start3A_262 = tpu.memref_slice %arg27[%dma_start3A_260, %dma_start3A_261] : memref<512x32xf32, #tpu.memory_space<vmem>> -> memref<128x32xf32, #tpu.memory_space<vmem>>
    %dma_start3A_263 = arith.constant 0 : i32
    %dma_start3A_264 = tpu.memref_slice %arg26[%dma_start3A_259, %dma_start3A_263] : memref<4x128xi32, #tpu.memory_space<vmem>> -> memref<1x128xi32, #tpu.memory_space<vmem>>
    %dma_start3A_265 = tpu.memref_squeeze %dma_start3A_264 : memref<1x128xi32, #tpu.memory_space<vmem>> -> memref<128xi32, #tpu.memory_space<vmem>>
    %dma_start3A_266 = arith.constant 0 : i32
    %dma_start3A_267 = arith.constant 0 : i32
    %dma_start3A_268 = tpu.memref_slice %arg5[%dma_start3A_266, %dma_start3A_267] : memref<1001x32xf32, #tpu.memory_space<hbm>> -> memref<1001x32xf32, #tpu.memory_space<hbm>>
    tpu.enqueue_indirect_dma source(%dma_start3A_268 : memref<1001x32xf32, #tpu.memory_space<hbm>>) target(%dma_start3A_262 : memref<128x32xf32, #tpu.memory_space<vmem>>) offsets(%dma_start3A_265 : memref<128xi32, #tpu.memory_space<vmem>>) semaphore(%arg28 : memref<!tpu.dma_semaphore, #tpu.memory_space<semaphore_mem>>)
    %dma_start3A_269 = arith.constant 2 : i32
    %dma_start3A_270 = arith.constant 256 : i32
    %dma_start3A_271 = arith.constant 0 : i32
    %dma_start3A_272 = tpu.memref_slice %arg27[%dma_start3A_270, %dma_start3A_271] : memref<512x32xf32, #tpu.memory_space<vmem>> -> memref<128x32xf32, #tpu.memory_space<vmem>>
    %dma_start3A_273 = arith.constant 0 : i32
    %dma_start3A_274 = tpu.memref_slice %arg26[%dma_start3A_269, %dma_start3A_273] : memref<4x128xi32, #tpu.memory_space<vmem>> -> memref<1x128xi32, #tpu.memory_space<vmem>>
    %dma_start3A_275 = tpu.memref_squeeze %dma_start3A_274 : memref<1x128xi32, #tpu.memory_space<vmem>> -> memref<128xi32, #tpu.memory_space<vmem>>
    %dma_start3A_276 = arith.constant 0 : i32
    %dma_start3A_277 = arith.constant 0 : i32
    %dma_start3A_278 = tpu.memref_slice %arg5[%dma_start3A_276, %dma_start3A_277] : memref<1001x32xf32, #tpu.memory_space<hbm>> -> memref<1001x32xf32, #tpu.memory_space<hbm>>
    tpu.enqueue_indirect_dma source(%dma_start3A_278 : memref<1001x32xf32, #tpu.memory_space<hbm>>) target(%dma_start3A_272 : memref<128x32xf32, #tpu.memory_space<vmem>>) offsets(%dma_start3A_275 : memref<128xi32, #tpu.memory_space<vmem>>) semaphore(%arg28 : memref<!tpu.dma_semaphore, #tpu.memory_space<semaphore_mem>>)
    %dma_start3A_279 = arith.constant 3 : i32
    %dma_start3A_280 = arith.constant 384 : i32
    %dma_start3A_281 = arith.constant 0 : i32
    %dma_start3A_282 = tpu.memref_slice %arg27[%dma_start3A_280, %dma_start3A_281] : memref<512x32xf32, #tpu.memory_space<vmem>> -> memref<128x32xf32, #tpu.memory_space<vmem>>
    %dma_start3A_283 = arith.constant 0 : i32
    %dma_start3A_284 = tpu.memref_slice %arg26[%dma_start3A_279, %dma_start3A_283] : memref<4x128xi32, #tpu.memory_space<vmem>> -> memref<1x128xi32, #tpu.memory_space<vmem>>
    %dma_start3A_285 = tpu.memref_squeeze %dma_start3A_284 : memref<1x128xi32, #tpu.memory_space<vmem>> -> memref<128xi32, #tpu.memory_space<vmem>>
    %dma_start3A_286 = arith.constant 0 : i32
    %dma_start3A_287 = arith.constant 0 : i32
    %dma_start3A_288 = tpu.memref_slice %arg5[%dma_start3A_286, %dma_start3A_287] : memref<1001x32xf32, #tpu.memory_space<hbm>> -> memref<1001x32xf32, #tpu.memory_space<hbm>>
    tpu.enqueue_indirect_dma source(%dma_start3A_288 : memref<1001x32xf32, #tpu.memory_space<hbm>>) target(%dma_start3A_282 : memref<128x32xf32, #tpu.memory_space<vmem>>) offsets(%dma_start3A_285 : memref<128xi32, #tpu.memory_space<vmem>>) semaphore(%arg28 : memref<!tpu.dma_semaphore, #tpu.memory_space<semaphore_mem>>)
    %dma_wait3A_289 = arith.constant 0 : i32
    %dma_wait3A_290 = arith.constant 0 : i32
    %dma_wait3A_291 = arith.constant 0 : i32
    %dma_wait3A_292 = tpu.memref_slice %arg27[%dma_wait3A_290, %dma_wait3A_291] : memref<512x32xf32, #tpu.memory_space<vmem>> -> memref<128x32xf32, #tpu.memory_space<vmem>>
    %dma_wait3A_293 = arith.constant 0 : i32
    %dma_wait3A_294 = tpu.memref_slice %arg26[%dma_wait3A_289, %dma_wait3A_293] : memref<4x128xi32, #tpu.memory_space<vmem>> -> memref<1x128xi32, #tpu.memory_space<vmem>>
    %dma_wait3A_295 = tpu.memref_squeeze %dma_wait3A_294 : memref<1x128xi32, #tpu.memory_space<vmem>> -> memref<128xi32, #tpu.memory_space<vmem>>
    %dma_wait3A_296 = arith.constant 0 : i32
    %dma_wait3A_297 = arith.constant 0 : i32
    %dma_wait3A_298 = tpu.memref_slice %arg5[%dma_wait3A_296, %dma_wait3A_297] : memref<1001x32xf32, #tpu.memory_space<hbm>> -> memref<1001x32xf32, #tpu.memory_space<hbm>>
    tpu.wait_indirect_dma semaphore(%arg28 : memref<!tpu.dma_semaphore, #tpu.memory_space<semaphore_mem>>) src(%dma_wait3A_298 : memref<1001x32xf32, #tpu.memory_space<hbm>>) dst(%dma_wait3A_292 : memref<128x32xf32, #tpu.memory_space<vmem>>)
    %dma_wait3A_299 = arith.constant 1 : i32
    %dma_wait3A_300 = arith.constant 128 : i32
    %dma_wait3A_301 = arith.constant 0 : i32
    %dma_wait3A_302 = tpu.memref_slice %arg27[%dma_wait3A_300, %dma_wait3A_301] : memref<512x32xf32, #tpu.memory_space<vmem>> -> memref<128x32xf32, #tpu.memory_space<vmem>>
    %dma_wait3A_303 = arith.constant 0 : i32
    %dma_wait3A_304 = tpu.memref_slice %arg26[%dma_wait3A_299, %dma_wait3A_303] : memref<4x128xi32, #tpu.memory_space<vmem>> -> memref<1x128xi32, #tpu.memory_space<vmem>>
    %dma_wait3A_305 = tpu.memref_squeeze %dma_wait3A_304 : memref<1x128xi32, #tpu.memory_space<vmem>> -> memref<128xi32, #tpu.memory_space<vmem>>
    %dma_wait3A_306 = arith.constant 0 : i32
    %dma_wait3A_307 = arith.constant 0 : i32
    %dma_wait3A_308 = tpu.memref_slice %arg5[%dma_wait3A_306, %dma_wait3A_307] : memref<1001x32xf32, #tpu.memory_space<hbm>> -> memref<1001x32xf32, #tpu.memory_space<hbm>>
    tpu.wait_indirect_dma semaphore(%arg28 : memref<!tpu.dma_semaphore, #tpu.memory_space<semaphore_mem>>) src(%dma_wait3A_308 : memref<1001x32xf32, #tpu.memory_space<hbm>>) dst(%dma_wait3A_302 : memref<128x32xf32, #tpu.memory_space<vmem>>)
    %dma_wait3A_309 = arith.constant 2 : i32
    %dma_wait3A_310 = arith.constant 256 : i32
    %dma_wait3A_311 = arith.constant 0 : i32
    %dma_wait3A_312 = tpu.memref_slice %arg27[%dma_wait3A_310, %dma_wait3A_311] : memref<512x32xf32, #tpu.memory_space<vmem>> -> memref<128x32xf32, #tpu.memory_space<vmem>>
    %dma_wait3A_313 = arith.constant 0 : i32
    %dma_wait3A_314 = tpu.memref_slice %arg26[%dma_wait3A_309, %dma_wait3A_313] : memref<4x128xi32, #tpu.memory_space<vmem>> -> memref<1x128xi32, #tpu.memory_space<vmem>>
    %dma_wait3A_315 = tpu.memref_squeeze %dma_wait3A_314 : memref<1x128xi32, #tpu.memory_space<vmem>> -> memref<128xi32, #tpu.memory_space<vmem>>
    %dma_wait3A_316 = arith.constant 0 : i32
    %dma_wait3A_317 = arith.constant 0 : i32
    %dma_wait3A_318 = tpu.memref_slice %arg5[%dma_wait3A_316, %dma_wait3A_317] : memref<1001x32xf32, #tpu.memory_space<hbm>> -> memref<1001x32xf32, #tpu.memory_space<hbm>>
    tpu.wait_indirect_dma semaphore(%arg28 : memref<!tpu.dma_semaphore, #tpu.memory_space<semaphore_mem>>) src(%dma_wait3A_318 : memref<1001x32xf32, #tpu.memory_space<hbm>>) dst(%dma_wait3A_312 : memref<128x32xf32, #tpu.memory_space<vmem>>)
    %dma_wait3A_319 = arith.constant 3 : i32
    %dma_wait3A_320 = arith.constant 384 : i32
    %dma_wait3A_321 = arith.constant 0 : i32
    %dma_wait3A_322 = tpu.memref_slice %arg27[%dma_wait3A_320, %dma_wait3A_321] : memref<512x32xf32, #tpu.memory_space<vmem>> -> memref<128x32xf32, #tpu.memory_space<vmem>>
    %dma_wait3A_323 = arith.constant 0 : i32
    %dma_wait3A_324 = tpu.memref_slice %arg26[%dma_wait3A_319, %dma_wait3A_323] : memref<4x128xi32, #tpu.memory_space<vmem>> -> memref<1x128xi32, #tpu.memory_space<vmem>>
    %dma_wait3A_325 = tpu.memref_squeeze %dma_wait3A_324 : memref<1x128xi32, #tpu.memory_space<vmem>> -> memref<128xi32, #tpu.memory_space<vmem>>
    %dma_wait3A_326 = arith.constant 0 : i32
    %dma_wait3A_327 = arith.constant 0 : i32
    %dma_wait3A_328 = tpu.memref_slice %arg5[%dma_wait3A_326, %dma_wait3A_327] : memref<1001x32xf32, #tpu.memory_space<hbm>> -> memref<1001x32xf32, #tpu.memory_space<hbm>>
    tpu.wait_indirect_dma semaphore(%arg28 : memref<!tpu.dma_semaphore, #tpu.memory_space<semaphore_mem>>) src(%dma_wait3A_328 : memref<1001x32xf32, #tpu.memory_space<hbm>>) dst(%dma_wait3A_322 : memref<128x32xf32, #tpu.memory_space<vmem>>)
    "tpu.region"() ({
      %run_scoped3A = tpu.sem_alloc : memref<!tpu.dma_semaphore, #tpu.memory_space<semaphore_mem>>
      %dma_start3A_657 = arith.constant 0 : i32
      %dma_start3A_658 = tpu.memref_slice %arg21[%mul3A_2, %dma_start3A_657] : memref<16384x32xf32, #tpu.memory_space<hbm>> -> memref<512x32xf32, #tpu.memory_space<hbm>>
      %dma_start3A_659 = arith.constant 0 : i32
      %dma_start3A_660 = tpu.memref_slice %arg21[%mul3A_2, %dma_start3A_659] : memref<16384x32xf32, #tpu.memory_space<hbm>> -> memref<512x32xf32, #tpu.memory_space<hbm>>
      tpu.enqueue_dma source(%arg27 : memref<512x32xf32, #tpu.memory_space<vmem>>) target(%dma_start3A_660 : memref<512x32xf32, #tpu.memory_space<hbm>>) target_semaphore(%run_scoped3A : memref<!tpu.dma_semaphore, #tpu.memory_space<semaphore_mem>>)
      %dma_wait3A_661 = arith.constant 0 : i32
      %dma_wait3A_662 = tpu.memref_slice %arg21[%mul3A_2, %dma_wait3A_661] : memref<16384x32xf32, #tpu.memory_space<hbm>> -> memref<512x32xf32, #tpu.memory_space<hbm>>
      %dma_wait3A_663 = arith.constant 0 : i32
      %dma_wait3A_664 = tpu.memref_slice %arg21[%mul3A_2, %dma_wait3A_663] : memref<16384x32xf32, #tpu.memory_space<hbm>> -> memref<512x32xf32, #tpu.memory_space<hbm>>
      tpu.wait_dma2 semaphore(%run_scoped3A : memref<!tpu.dma_semaphore, #tpu.memory_space<semaphore_mem>>) src(%arg27 : memref<512x32xf32, #tpu.memory_space<vmem>>) dst(%dma_wait3A_664 : memref<512x32xf32, #tpu.memory_space<hbm>>)
      tpu.yield
    }) : () -> ()
    %mul3A_329 = arith.constant 4 : i32
    %mul3A_330 = arith.muli %add3A, %mul3A_329 : i32
    "tpu.region"() ({
      %run_scoped3A = tpu.sem_alloc : memref<!tpu.dma_semaphore, #tpu.memory_space<semaphore_mem>>
      %dma_start3A_657 = arith.constant 0 : i32
      %dma_start3A_658 = tpu.memref_slice %arg14[%mul3A_330, %dma_start3A_657] : memref<128x128xi32, #tpu.memory_space<hbm>> -> memref<4x128xi32, #tpu.memory_space<hbm>>
      %dma_start3A_659 = arith.constant 0 : i32
      %dma_start3A_660 = tpu.memref_slice %arg14[%mul3A_330, %dma_start3A_659] : memref<128x128xi32, #tpu.memory_space<hbm>> -> memref<4x128xi32, #tpu.memory_space<hbm>>
      tpu.enqueue_dma source(%dma_start3A_660 : memref<4x128xi32, #tpu.memory_space<hbm>>) target(%arg26 : memref<4x128xi32, #tpu.memory_space<vmem>>) target_semaphore(%run_scoped3A : memref<!tpu.dma_semaphore, #tpu.memory_space<semaphore_mem>>)
      %dma_wait3A_661 = arith.constant 0 : i32
      %dma_wait3A_662 = tpu.memref_slice %arg14[%mul3A_330, %dma_wait3A_661] : memref<128x128xi32, #tpu.memory_space<hbm>> -> memref<4x128xi32, #tpu.memory_space<hbm>>
      %dma_wait3A_663 = arith.constant 0 : i32
      %dma_wait3A_664 = tpu.memref_slice %arg14[%mul3A_330, %dma_wait3A_663] : memref<128x128xi32, #tpu.memory_space<hbm>> -> memref<4x128xi32, #tpu.memory_space<hbm>>
      tpu.wait_dma2 semaphore(%run_scoped3A : memref<!tpu.dma_semaphore, #tpu.memory_space<semaphore_mem>>) src(%dma_wait3A_664 : memref<4x128xi32, #tpu.memory_space<hbm>>) dst(%arg26 : memref<4x128xi32, #tpu.memory_space<vmem>>)
      tpu.yield
    }) : () -> ()
    %dma_start3A_331 = arith.constant 0 : i32
    %dma_start3A_332 = arith.constant 0 : i32
    %dma_start3A_333 = arith.constant 0 : i32
    %dma_start3A_334 = tpu.memref_slice %arg27[%dma_start3A_332, %dma_start3A_333] : memref<512x32xf32, #tpu.memory_space<vmem>> -> memref<128x32xf32, #tpu.memory_space<vmem>>
    %dma_start3A_335 = arith.constant 0 : i32
    %dma_start3A_336 = tpu.memref_slice %arg26[%dma_start3A_331, %dma_start3A_335] : memref<4x128xi32, #tpu.memory_space<vmem>> -> memref<1x128xi32, #tpu.memory_space<vmem>>
    %dma_start3A_337 = tpu.memref_squeeze %dma_start3A_336 : memref<1x128xi32, #tpu.memory_space<vmem>> -> memref<128xi32, #tpu.memory_space<vmem>>
    %dma_start3A_338 = arith.constant 0 : i32
    %dma_start3A_339 = arith.constant 0 : i32
    %dma_start3A_340 = tpu.memref_slice %arg6[%dma_start3A_338, %dma_start3A_339] : memref<100001x32xf32, #tpu.memory_space<hbm>> -> memref<100001x32xf32, #tpu.memory_space<hbm>>
    tpu.enqueue_indirect_dma source(%dma_start3A_340 : memref<100001x32xf32, #tpu.memory_space<hbm>>) target(%dma_start3A_334 : memref<128x32xf32, #tpu.memory_space<vmem>>) offsets(%dma_start3A_337 : memref<128xi32, #tpu.memory_space<vmem>>) semaphore(%arg28 : memref<!tpu.dma_semaphore, #tpu.memory_space<semaphore_mem>>)
    %dma_start3A_341 = arith.constant 1 : i32
    %dma_start3A_342 = arith.constant 128 : i32
    %dma_start3A_343 = arith.constant 0 : i32
    %dma_start3A_344 = tpu.memref_slice %arg27[%dma_start3A_342, %dma_start3A_343] : memref<512x32xf32, #tpu.memory_space<vmem>> -> memref<128x32xf32, #tpu.memory_space<vmem>>
    %dma_start3A_345 = arith.constant 0 : i32
    %dma_start3A_346 = tpu.memref_slice %arg26[%dma_start3A_341, %dma_start3A_345] : memref<4x128xi32, #tpu.memory_space<vmem>> -> memref<1x128xi32, #tpu.memory_space<vmem>>
    %dma_start3A_347 = tpu.memref_squeeze %dma_start3A_346 : memref<1x128xi32, #tpu.memory_space<vmem>> -> memref<128xi32, #tpu.memory_space<vmem>>
    %dma_start3A_348 = arith.constant 0 : i32
    %dma_start3A_349 = arith.constant 0 : i32
    %dma_start3A_350 = tpu.memref_slice %arg6[%dma_start3A_348, %dma_start3A_349] : memref<100001x32xf32, #tpu.memory_space<hbm>> -> memref<100001x32xf32, #tpu.memory_space<hbm>>
    tpu.enqueue_indirect_dma source(%dma_start3A_350 : memref<100001x32xf32, #tpu.memory_space<hbm>>) target(%dma_start3A_344 : memref<128x32xf32, #tpu.memory_space<vmem>>) offsets(%dma_start3A_347 : memref<128xi32, #tpu.memory_space<vmem>>) semaphore(%arg28 : memref<!tpu.dma_semaphore, #tpu.memory_space<semaphore_mem>>)
    %dma_start3A_351 = arith.constant 2 : i32
    %dma_start3A_352 = arith.constant 256 : i32
    %dma_start3A_353 = arith.constant 0 : i32
    %dma_start3A_354 = tpu.memref_slice %arg27[%dma_start3A_352, %dma_start3A_353] : memref<512x32xf32, #tpu.memory_space<vmem>> -> memref<128x32xf32, #tpu.memory_space<vmem>>
    %dma_start3A_355 = arith.constant 0 : i32
    %dma_start3A_356 = tpu.memref_slice %arg26[%dma_start3A_351, %dma_start3A_355] : memref<4x128xi32, #tpu.memory_space<vmem>> -> memref<1x128xi32, #tpu.memory_space<vmem>>
    %dma_start3A_357 = tpu.memref_squeeze %dma_start3A_356 : memref<1x128xi32, #tpu.memory_space<vmem>> -> memref<128xi32, #tpu.memory_space<vmem>>
    %dma_start3A_358 = arith.constant 0 : i32
    %dma_start3A_359 = arith.constant 0 : i32
    %dma_start3A_360 = tpu.memref_slice %arg6[%dma_start3A_358, %dma_start3A_359] : memref<100001x32xf32, #tpu.memory_space<hbm>> -> memref<100001x32xf32, #tpu.memory_space<hbm>>
    tpu.enqueue_indirect_dma source(%dma_start3A_360 : memref<100001x32xf32, #tpu.memory_space<hbm>>) target(%dma_start3A_354 : memref<128x32xf32, #tpu.memory_space<vmem>>) offsets(%dma_start3A_357 : memref<128xi32, #tpu.memory_space<vmem>>) semaphore(%arg28 : memref<!tpu.dma_semaphore, #tpu.memory_space<semaphore_mem>>)
    %dma_start3A_361 = arith.constant 3 : i32
    %dma_start3A_362 = arith.constant 384 : i32
    %dma_start3A_363 = arith.constant 0 : i32
    %dma_start3A_364 = tpu.memref_slice %arg27[%dma_start3A_362, %dma_start3A_363] : memref<512x32xf32, #tpu.memory_space<vmem>> -> memref<128x32xf32, #tpu.memory_space<vmem>>
    %dma_start3A_365 = arith.constant 0 : i32
    %dma_start3A_366 = tpu.memref_slice %arg26[%dma_start3A_361, %dma_start3A_365] : memref<4x128xi32, #tpu.memory_space<vmem>> -> memref<1x128xi32, #tpu.memory_space<vmem>>
    %dma_start3A_367 = tpu.memref_squeeze %dma_start3A_366 : memref<1x128xi32, #tpu.memory_space<vmem>> -> memref<128xi32, #tpu.memory_space<vmem>>
    %dma_start3A_368 = arith.constant 0 : i32
    %dma_start3A_369 = arith.constant 0 : i32
    %dma_start3A_370 = tpu.memref_slice %arg6[%dma_start3A_368, %dma_start3A_369] : memref<100001x32xf32, #tpu.memory_space<hbm>> -> memref<100001x32xf32, #tpu.memory_space<hbm>>
    tpu.enqueue_indirect_dma source(%dma_start3A_370 : memref<100001x32xf32, #tpu.memory_space<hbm>>) target(%dma_start3A_364 : memref<128x32xf32, #tpu.memory_space<vmem>>) offsets(%dma_start3A_367 : memref<128xi32, #tpu.memory_space<vmem>>) semaphore(%arg28 : memref<!tpu.dma_semaphore, #tpu.memory_space<semaphore_mem>>)
    %dma_wait3A_371 = arith.constant 0 : i32
    %dma_wait3A_372 = arith.constant 0 : i32
    %dma_wait3A_373 = arith.constant 0 : i32
    %dma_wait3A_374 = tpu.memref_slice %arg27[%dma_wait3A_372, %dma_wait3A_373] : memref<512x32xf32, #tpu.memory_space<vmem>> -> memref<128x32xf32, #tpu.memory_space<vmem>>
    %dma_wait3A_375 = arith.constant 0 : i32
    %dma_wait3A_376 = tpu.memref_slice %arg26[%dma_wait3A_371, %dma_wait3A_375] : memref<4x128xi32, #tpu.memory_space<vmem>> -> memref<1x128xi32, #tpu.memory_space<vmem>>
    %dma_wait3A_377 = tpu.memref_squeeze %dma_wait3A_376 : memref<1x128xi32, #tpu.memory_space<vmem>> -> memref<128xi32, #tpu.memory_space<vmem>>
    %dma_wait3A_378 = arith.constant 0 : i32
    %dma_wait3A_379 = arith.constant 0 : i32
    %dma_wait3A_380 = tpu.memref_slice %arg6[%dma_wait3A_378, %dma_wait3A_379] : memref<100001x32xf32, #tpu.memory_space<hbm>> -> memref<100001x32xf32, #tpu.memory_space<hbm>>
    tpu.wait_indirect_dma semaphore(%arg28 : memref<!tpu.dma_semaphore, #tpu.memory_space<semaphore_mem>>) src(%dma_wait3A_380 : memref<100001x32xf32, #tpu.memory_space<hbm>>) dst(%dma_wait3A_374 : memref<128x32xf32, #tpu.memory_space<vmem>>)
    %dma_wait3A_381 = arith.constant 1 : i32
    %dma_wait3A_382 = arith.constant 128 : i32
    %dma_wait3A_383 = arith.constant 0 : i32
    %dma_wait3A_384 = tpu.memref_slice %arg27[%dma_wait3A_382, %dma_wait3A_383] : memref<512x32xf32, #tpu.memory_space<vmem>> -> memref<128x32xf32, #tpu.memory_space<vmem>>
    %dma_wait3A_385 = arith.constant 0 : i32
    %dma_wait3A_386 = tpu.memref_slice %arg26[%dma_wait3A_381, %dma_wait3A_385] : memref<4x128xi32, #tpu.memory_space<vmem>> -> memref<1x128xi32, #tpu.memory_space<vmem>>
    %dma_wait3A_387 = tpu.memref_squeeze %dma_wait3A_386 : memref<1x128xi32, #tpu.memory_space<vmem>> -> memref<128xi32, #tpu.memory_space<vmem>>
    %dma_wait3A_388 = arith.constant 0 : i32
    %dma_wait3A_389 = arith.constant 0 : i32
    %dma_wait3A_390 = tpu.memref_slice %arg6[%dma_wait3A_388, %dma_wait3A_389] : memref<100001x32xf32, #tpu.memory_space<hbm>> -> memref<100001x32xf32, #tpu.memory_space<hbm>>
    tpu.wait_indirect_dma semaphore(%arg28 : memref<!tpu.dma_semaphore, #tpu.memory_space<semaphore_mem>>) src(%dma_wait3A_390 : memref<100001x32xf32, #tpu.memory_space<hbm>>) dst(%dma_wait3A_384 : memref<128x32xf32, #tpu.memory_space<vmem>>)
    %dma_wait3A_391 = arith.constant 2 : i32
    %dma_wait3A_392 = arith.constant 256 : i32
    %dma_wait3A_393 = arith.constant 0 : i32
    %dma_wait3A_394 = tpu.memref_slice %arg27[%dma_wait3A_392, %dma_wait3A_393] : memref<512x32xf32, #tpu.memory_space<vmem>> -> memref<128x32xf32, #tpu.memory_space<vmem>>
    %dma_wait3A_395 = arith.constant 0 : i32
    %dma_wait3A_396 = tpu.memref_slice %arg26[%dma_wait3A_391, %dma_wait3A_395] : memref<4x128xi32, #tpu.memory_space<vmem>> -> memref<1x128xi32, #tpu.memory_space<vmem>>
    %dma_wait3A_397 = tpu.memref_squeeze %dma_wait3A_396 : memref<1x128xi32, #tpu.memory_space<vmem>> -> memref<128xi32, #tpu.memory_space<vmem>>
    %dma_wait3A_398 = arith.constant 0 : i32
    %dma_wait3A_399 = arith.constant 0 : i32
    %dma_wait3A_400 = tpu.memref_slice %arg6[%dma_wait3A_398, %dma_wait3A_399] : memref<100001x32xf32, #tpu.memory_space<hbm>> -> memref<100001x32xf32, #tpu.memory_space<hbm>>
    tpu.wait_indirect_dma semaphore(%arg28 : memref<!tpu.dma_semaphore, #tpu.memory_space<semaphore_mem>>) src(%dma_wait3A_400 : memref<100001x32xf32, #tpu.memory_space<hbm>>) dst(%dma_wait3A_394 : memref<128x32xf32, #tpu.memory_space<vmem>>)
    %dma_wait3A_401 = arith.constant 3 : i32
    %dma_wait3A_402 = arith.constant 384 : i32
    %dma_wait3A_403 = arith.constant 0 : i32
    %dma_wait3A_404 = tpu.memref_slice %arg27[%dma_wait3A_402, %dma_wait3A_403] : memref<512x32xf32, #tpu.memory_space<vmem>> -> memref<128x32xf32, #tpu.memory_space<vmem>>
    %dma_wait3A_405 = arith.constant 0 : i32
    %dma_wait3A_406 = tpu.memref_slice %arg26[%dma_wait3A_401, %dma_wait3A_405] : memref<4x128xi32, #tpu.memory_space<vmem>> -> memref<1x128xi32, #tpu.memory_space<vmem>>
    %dma_wait3A_407 = tpu.memref_squeeze %dma_wait3A_406 : memref<1x128xi32, #tpu.memory_space<vmem>> -> memref<128xi32, #tpu.memory_space<vmem>>
    %dma_wait3A_408 = arith.constant 0 : i32
    %dma_wait3A_409 = arith.constant 0 : i32
    %dma_wait3A_410 = tpu.memref_slice %arg6[%dma_wait3A_408, %dma_wait3A_409] : memref<100001x32xf32, #tpu.memory_space<hbm>> -> memref<100001x32xf32, #tpu.memory_space<hbm>>
    tpu.wait_indirect_dma semaphore(%arg28 : memref<!tpu.dma_semaphore, #tpu.memory_space<semaphore_mem>>) src(%dma_wait3A_410 : memref<100001x32xf32, #tpu.memory_space<hbm>>) dst(%dma_wait3A_404 : memref<128x32xf32, #tpu.memory_space<vmem>>)
    "tpu.region"() ({
      %run_scoped3A = tpu.sem_alloc : memref<!tpu.dma_semaphore, #tpu.memory_space<semaphore_mem>>
      %dma_start3A_657 = arith.constant 0 : i32
      %dma_start3A_658 = tpu.memref_slice %arg22[%mul3A_2, %dma_start3A_657] : memref<16384x32xf32, #tpu.memory_space<hbm>> -> memref<512x32xf32, #tpu.memory_space<hbm>>
      %dma_start3A_659 = arith.constant 0 : i32
      %dma_start3A_660 = tpu.memref_slice %arg22[%mul3A_2, %dma_start3A_659] : memref<16384x32xf32, #tpu.memory_space<hbm>> -> memref<512x32xf32, #tpu.memory_space<hbm>>
      tpu.enqueue_dma source(%arg27 : memref<512x32xf32, #tpu.memory_space<vmem>>) target(%dma_start3A_660 : memref<512x32xf32, #tpu.memory_space<hbm>>) target_semaphore(%run_scoped3A : memref<!tpu.dma_semaphore, #tpu.memory_space<semaphore_mem>>)
      %dma_wait3A_661 = arith.constant 0 : i32
      %dma_wait3A_662 = tpu.memref_slice %arg22[%mul3A_2, %dma_wait3A_661] : memref<16384x32xf32, #tpu.memory_space<hbm>> -> memref<512x32xf32, #tpu.memory_space<hbm>>
      %dma_wait3A_663 = arith.constant 0 : i32
      %dma_wait3A_664 = tpu.memref_slice %arg22[%mul3A_2, %dma_wait3A_663] : memref<16384x32xf32, #tpu.memory_space<hbm>> -> memref<512x32xf32, #tpu.memory_space<hbm>>
      tpu.wait_dma2 semaphore(%run_scoped3A : memref<!tpu.dma_semaphore, #tpu.memory_space<semaphore_mem>>) src(%arg27 : memref<512x32xf32, #tpu.memory_space<vmem>>) dst(%dma_wait3A_664 : memref<512x32xf32, #tpu.memory_space<hbm>>)
      tpu.yield
    }) : () -> ()
    %mul3A_411 = arith.constant 4 : i32
    %mul3A_412 = arith.muli %add3A, %mul3A_411 : i32
    "tpu.region"() ({
      %run_scoped3A = tpu.sem_alloc : memref<!tpu.dma_semaphore, #tpu.memory_space<semaphore_mem>>
      %dma_start3A_657 = arith.constant 0 : i32
      %dma_start3A_658 = tpu.memref_slice %arg15[%mul3A_412, %dma_start3A_657] : memref<128x128xi32, #tpu.memory_space<hbm>> -> memref<4x128xi32, #tpu.memory_space<hbm>>
      %dma_start3A_659 = arith.constant 0 : i32
      %dma_start3A_660 = tpu.memref_slice %arg15[%mul3A_412, %dma_start3A_659] : memref<128x128xi32, #tpu.memory_space<hbm>> -> memref<4x128xi32, #tpu.memory_space<hbm>>
      tpu.enqueue_dma source(%dma_start3A_660 : memref<4x128xi32, #tpu.memory_space<hbm>>) target(%arg26 : memref<4x128xi32, #tpu.memory_space<vmem>>) target_semaphore(%run_scoped3A : memref<!tpu.dma_semaphore, #tpu.memory_space<semaphore_mem>>)
      %dma_wait3A_661 = arith.constant 0 : i32
      %dma_wait3A_662 = tpu.memref_slice %arg15[%mul3A_412, %dma_wait3A_661] : memref<128x128xi32, #tpu.memory_space<hbm>> -> memref<4x128xi32, #tpu.memory_space<hbm>>
      %dma_wait3A_663 = arith.constant 0 : i32
      %dma_wait3A_664 = tpu.memref_slice %arg15[%mul3A_412, %dma_wait3A_663] : memref<128x128xi32, #tpu.memory_space<hbm>> -> memref<4x128xi32, #tpu.memory_space<hbm>>
      tpu.wait_dma2 semaphore(%run_scoped3A : memref<!tpu.dma_semaphore, #tpu.memory_space<semaphore_mem>>) src(%dma_wait3A_664 : memref<4x128xi32, #tpu.memory_space<hbm>>) dst(%arg26 : memref<4x128xi32, #tpu.memory_space<vmem>>)
      tpu.yield
    }) : () -> ()
    %dma_start3A_413 = arith.constant 0 : i32
    %dma_start3A_414 = arith.constant 0 : i32
    %dma_start3A_415 = arith.constant 0 : i32
    %dma_start3A_416 = tpu.memref_slice %arg27[%dma_start3A_414, %dma_start3A_415] : memref<512x32xf32, #tpu.memory_space<vmem>> -> memref<128x32xf32, #tpu.memory_space<vmem>>
    %dma_start3A_417 = arith.constant 0 : i32
    %dma_start3A_418 = tpu.memref_slice %arg26[%dma_start3A_413, %dma_start3A_417] : memref<4x128xi32, #tpu.memory_space<vmem>> -> memref<1x128xi32, #tpu.memory_space<vmem>>
    %dma_start3A_419 = tpu.memref_squeeze %dma_start3A_418 : memref<1x128xi32, #tpu.memory_space<vmem>> -> memref<128xi32, #tpu.memory_space<vmem>>
    %dma_start3A_420 = arith.constant 0 : i32
    %dma_start3A_421 = arith.constant 0 : i32
    %dma_start3A_422 = tpu.memref_slice %arg7[%dma_start3A_420, %dma_start3A_421] : memref<1001x32xf32, #tpu.memory_space<hbm>> -> memref<1001x32xf32, #tpu.memory_space<hbm>>
    tpu.enqueue_indirect_dma source(%dma_start3A_422 : memref<1001x32xf32, #tpu.memory_space<hbm>>) target(%dma_start3A_416 : memref<128x32xf32, #tpu.memory_space<vmem>>) offsets(%dma_start3A_419 : memref<128xi32, #tpu.memory_space<vmem>>) semaphore(%arg28 : memref<!tpu.dma_semaphore, #tpu.memory_space<semaphore_mem>>)
    %dma_start3A_423 = arith.constant 1 : i32
    %dma_start3A_424 = arith.constant 128 : i32
    %dma_start3A_425 = arith.constant 0 : i32
    %dma_start3A_426 = tpu.memref_slice %arg27[%dma_start3A_424, %dma_start3A_425] : memref<512x32xf32, #tpu.memory_space<vmem>> -> memref<128x32xf32, #tpu.memory_space<vmem>>
    %dma_start3A_427 = arith.constant 0 : i32
    %dma_start3A_428 = tpu.memref_slice %arg26[%dma_start3A_423, %dma_start3A_427] : memref<4x128xi32, #tpu.memory_space<vmem>> -> memref<1x128xi32, #tpu.memory_space<vmem>>
    %dma_start3A_429 = tpu.memref_squeeze %dma_start3A_428 : memref<1x128xi32, #tpu.memory_space<vmem>> -> memref<128xi32, #tpu.memory_space<vmem>>
    %dma_start3A_430 = arith.constant 0 : i32
    %dma_start3A_431 = arith.constant 0 : i32
    %dma_start3A_432 = tpu.memref_slice %arg7[%dma_start3A_430, %dma_start3A_431] : memref<1001x32xf32, #tpu.memory_space<hbm>> -> memref<1001x32xf32, #tpu.memory_space<hbm>>
    tpu.enqueue_indirect_dma source(%dma_start3A_432 : memref<1001x32xf32, #tpu.memory_space<hbm>>) target(%dma_start3A_426 : memref<128x32xf32, #tpu.memory_space<vmem>>) offsets(%dma_start3A_429 : memref<128xi32, #tpu.memory_space<vmem>>) semaphore(%arg28 : memref<!tpu.dma_semaphore, #tpu.memory_space<semaphore_mem>>)
    %dma_start3A_433 = arith.constant 2 : i32
    %dma_start3A_434 = arith.constant 256 : i32
    %dma_start3A_435 = arith.constant 0 : i32
    %dma_start3A_436 = tpu.memref_slice %arg27[%dma_start3A_434, %dma_start3A_435] : memref<512x32xf32, #tpu.memory_space<vmem>> -> memref<128x32xf32, #tpu.memory_space<vmem>>
    %dma_start3A_437 = arith.constant 0 : i32
    %dma_start3A_438 = tpu.memref_slice %arg26[%dma_start3A_433, %dma_start3A_437] : memref<4x128xi32, #tpu.memory_space<vmem>> -> memref<1x128xi32, #tpu.memory_space<vmem>>
    %dma_start3A_439 = tpu.memref_squeeze %dma_start3A_438 : memref<1x128xi32, #tpu.memory_space<vmem>> -> memref<128xi32, #tpu.memory_space<vmem>>
    %dma_start3A_440 = arith.constant 0 : i32
    %dma_start3A_441 = arith.constant 0 : i32
    %dma_start3A_442 = tpu.memref_slice %arg7[%dma_start3A_440, %dma_start3A_441] : memref<1001x32xf32, #tpu.memory_space<hbm>> -> memref<1001x32xf32, #tpu.memory_space<hbm>>
    tpu.enqueue_indirect_dma source(%dma_start3A_442 : memref<1001x32xf32, #tpu.memory_space<hbm>>) target(%dma_start3A_436 : memref<128x32xf32, #tpu.memory_space<vmem>>) offsets(%dma_start3A_439 : memref<128xi32, #tpu.memory_space<vmem>>) semaphore(%arg28 : memref<!tpu.dma_semaphore, #tpu.memory_space<semaphore_mem>>)
    %dma_start3A_443 = arith.constant 3 : i32
    %dma_start3A_444 = arith.constant 384 : i32
    %dma_start3A_445 = arith.constant 0 : i32
    %dma_start3A_446 = tpu.memref_slice %arg27[%dma_start3A_444, %dma_start3A_445] : memref<512x32xf32, #tpu.memory_space<vmem>> -> memref<128x32xf32, #tpu.memory_space<vmem>>
    %dma_start3A_447 = arith.constant 0 : i32
    %dma_start3A_448 = tpu.memref_slice %arg26[%dma_start3A_443, %dma_start3A_447] : memref<4x128xi32, #tpu.memory_space<vmem>> -> memref<1x128xi32, #tpu.memory_space<vmem>>
    %dma_start3A_449 = tpu.memref_squeeze %dma_start3A_448 : memref<1x128xi32, #tpu.memory_space<vmem>> -> memref<128xi32, #tpu.memory_space<vmem>>
    %dma_start3A_450 = arith.constant 0 : i32
    %dma_start3A_451 = arith.constant 0 : i32
    %dma_start3A_452 = tpu.memref_slice %arg7[%dma_start3A_450, %dma_start3A_451] : memref<1001x32xf32, #tpu.memory_space<hbm>> -> memref<1001x32xf32, #tpu.memory_space<hbm>>
    tpu.enqueue_indirect_dma source(%dma_start3A_452 : memref<1001x32xf32, #tpu.memory_space<hbm>>) target(%dma_start3A_446 : memref<128x32xf32, #tpu.memory_space<vmem>>) offsets(%dma_start3A_449 : memref<128xi32, #tpu.memory_space<vmem>>) semaphore(%arg28 : memref<!tpu.dma_semaphore, #tpu.memory_space<semaphore_mem>>)
    %dma_wait3A_453 = arith.constant 0 : i32
    %dma_wait3A_454 = arith.constant 0 : i32
    %dma_wait3A_455 = arith.constant 0 : i32
    %dma_wait3A_456 = tpu.memref_slice %arg27[%dma_wait3A_454, %dma_wait3A_455] : memref<512x32xf32, #tpu.memory_space<vmem>> -> memref<128x32xf32, #tpu.memory_space<vmem>>
    %dma_wait3A_457 = arith.constant 0 : i32
    %dma_wait3A_458 = tpu.memref_slice %arg26[%dma_wait3A_453, %dma_wait3A_457] : memref<4x128xi32, #tpu.memory_space<vmem>> -> memref<1x128xi32, #tpu.memory_space<vmem>>
    %dma_wait3A_459 = tpu.memref_squeeze %dma_wait3A_458 : memref<1x128xi32, #tpu.memory_space<vmem>> -> memref<128xi32, #tpu.memory_space<vmem>>
    %dma_wait3A_460 = arith.constant 0 : i32
    %dma_wait3A_461 = arith.constant 0 : i32
    %dma_wait3A_462 = tpu.memref_slice %arg7[%dma_wait3A_460, %dma_wait3A_461] : memref<1001x32xf32, #tpu.memory_space<hbm>> -> memref<1001x32xf32, #tpu.memory_space<hbm>>
    tpu.wait_indirect_dma semaphore(%arg28 : memref<!tpu.dma_semaphore, #tpu.memory_space<semaphore_mem>>) src(%dma_wait3A_462 : memref<1001x32xf32, #tpu.memory_space<hbm>>) dst(%dma_wait3A_456 : memref<128x32xf32, #tpu.memory_space<vmem>>)
    %dma_wait3A_463 = arith.constant 1 : i32
    %dma_wait3A_464 = arith.constant 128 : i32
    %dma_wait3A_465 = arith.constant 0 : i32
    %dma_wait3A_466 = tpu.memref_slice %arg27[%dma_wait3A_464, %dma_wait3A_465] : memref<512x32xf32, #tpu.memory_space<vmem>> -> memref<128x32xf32, #tpu.memory_space<vmem>>
    %dma_wait3A_467 = arith.constant 0 : i32
    %dma_wait3A_468 = tpu.memref_slice %arg26[%dma_wait3A_463, %dma_wait3A_467] : memref<4x128xi32, #tpu.memory_space<vmem>> -> memref<1x128xi32, #tpu.memory_space<vmem>>
    %dma_wait3A_469 = tpu.memref_squeeze %dma_wait3A_468 : memref<1x128xi32, #tpu.memory_space<vmem>> -> memref<128xi32, #tpu.memory_space<vmem>>
    %dma_wait3A_470 = arith.constant 0 : i32
    %dma_wait3A_471 = arith.constant 0 : i32
    %dma_wait3A_472 = tpu.memref_slice %arg7[%dma_wait3A_470, %dma_wait3A_471] : memref<1001x32xf32, #tpu.memory_space<hbm>> -> memref<1001x32xf32, #tpu.memory_space<hbm>>
    tpu.wait_indirect_dma semaphore(%arg28 : memref<!tpu.dma_semaphore, #tpu.memory_space<semaphore_mem>>) src(%dma_wait3A_472 : memref<1001x32xf32, #tpu.memory_space<hbm>>) dst(%dma_wait3A_466 : memref<128x32xf32, #tpu.memory_space<vmem>>)
    %dma_wait3A_473 = arith.constant 2 : i32
    %dma_wait3A_474 = arith.constant 256 : i32
    %dma_wait3A_475 = arith.constant 0 : i32
    %dma_wait3A_476 = tpu.memref_slice %arg27[%dma_wait3A_474, %dma_wait3A_475] : memref<512x32xf32, #tpu.memory_space<vmem>> -> memref<128x32xf32, #tpu.memory_space<vmem>>
    %dma_wait3A_477 = arith.constant 0 : i32
    %dma_wait3A_478 = tpu.memref_slice %arg26[%dma_wait3A_473, %dma_wait3A_477] : memref<4x128xi32, #tpu.memory_space<vmem>> -> memref<1x128xi32, #tpu.memory_space<vmem>>
    %dma_wait3A_479 = tpu.memref_squeeze %dma_wait3A_478 : memref<1x128xi32, #tpu.memory_space<vmem>> -> memref<128xi32, #tpu.memory_space<vmem>>
    %dma_wait3A_480 = arith.constant 0 : i32
    %dma_wait3A_481 = arith.constant 0 : i32
    %dma_wait3A_482 = tpu.memref_slice %arg7[%dma_wait3A_480, %dma_wait3A_481] : memref<1001x32xf32, #tpu.memory_space<hbm>> -> memref<1001x32xf32, #tpu.memory_space<hbm>>
    tpu.wait_indirect_dma semaphore(%arg28 : memref<!tpu.dma_semaphore, #tpu.memory_space<semaphore_mem>>) src(%dma_wait3A_482 : memref<1001x32xf32, #tpu.memory_space<hbm>>) dst(%dma_wait3A_476 : memref<128x32xf32, #tpu.memory_space<vmem>>)
    %dma_wait3A_483 = arith.constant 3 : i32
    %dma_wait3A_484 = arith.constant 384 : i32
    %dma_wait3A_485 = arith.constant 0 : i32
    %dma_wait3A_486 = tpu.memref_slice %arg27[%dma_wait3A_484, %dma_wait3A_485] : memref<512x32xf32, #tpu.memory_space<vmem>> -> memref<128x32xf32, #tpu.memory_space<vmem>>
    %dma_wait3A_487 = arith.constant 0 : i32
    %dma_wait3A_488 = tpu.memref_slice %arg26[%dma_wait3A_483, %dma_wait3A_487] : memref<4x128xi32, #tpu.memory_space<vmem>> -> memref<1x128xi32, #tpu.memory_space<vmem>>
    %dma_wait3A_489 = tpu.memref_squeeze %dma_wait3A_488 : memref<1x128xi32, #tpu.memory_space<vmem>> -> memref<128xi32, #tpu.memory_space<vmem>>
    %dma_wait3A_490 = arith.constant 0 : i32
    %dma_wait3A_491 = arith.constant 0 : i32
    %dma_wait3A_492 = tpu.memref_slice %arg7[%dma_wait3A_490, %dma_wait3A_491] : memref<1001x32xf32, #tpu.memory_space<hbm>> -> memref<1001x32xf32, #tpu.memory_space<hbm>>
    tpu.wait_indirect_dma semaphore(%arg28 : memref<!tpu.dma_semaphore, #tpu.memory_space<semaphore_mem>>) src(%dma_wait3A_492 : memref<1001x32xf32, #tpu.memory_space<hbm>>) dst(%dma_wait3A_486 : memref<128x32xf32, #tpu.memory_space<vmem>>)
    "tpu.region"() ({
      %run_scoped3A = tpu.sem_alloc : memref<!tpu.dma_semaphore, #tpu.memory_space<semaphore_mem>>
      %dma_start3A_657 = arith.constant 0 : i32
      %dma_start3A_658 = tpu.memref_slice %arg23[%mul3A_2, %dma_start3A_657] : memref<16384x32xf32, #tpu.memory_space<hbm>> -> memref<512x32xf32, #tpu.memory_space<hbm>>
      %dma_start3A_659 = arith.constant 0 : i32
      %dma_start3A_660 = tpu.memref_slice %arg23[%mul3A_2, %dma_start3A_659] : memref<16384x32xf32, #tpu.memory_space<hbm>> -> memref<512x32xf32, #tpu.memory_space<hbm>>
      tpu.enqueue_dma source(%arg27 : memref<512x32xf32, #tpu.memory_space<vmem>>) target(%dma_start3A_660 : memref<512x32xf32, #tpu.memory_space<hbm>>) target_semaphore(%run_scoped3A : memref<!tpu.dma_semaphore, #tpu.memory_space<semaphore_mem>>)
      %dma_wait3A_661 = arith.constant 0 : i32
      %dma_wait3A_662 = tpu.memref_slice %arg23[%mul3A_2, %dma_wait3A_661] : memref<16384x32xf32, #tpu.memory_space<hbm>> -> memref<512x32xf32, #tpu.memory_space<hbm>>
      %dma_wait3A_663 = arith.constant 0 : i32
      %dma_wait3A_664 = tpu.memref_slice %arg23[%mul3A_2, %dma_wait3A_663] : memref<16384x32xf32, #tpu.memory_space<hbm>> -> memref<512x32xf32, #tpu.memory_space<hbm>>
      tpu.wait_dma2 semaphore(%run_scoped3A : memref<!tpu.dma_semaphore, #tpu.memory_space<semaphore_mem>>) src(%arg27 : memref<512x32xf32, #tpu.memory_space<vmem>>) dst(%dma_wait3A_664 : memref<512x32xf32, #tpu.memory_space<hbm>>)
      tpu.yield
    }) : () -> ()
    %mul3A_493 = arith.constant 4 : i32
    %mul3A_494 = arith.muli %add3A, %mul3A_493 : i32
    "tpu.region"() ({
      %run_scoped3A = tpu.sem_alloc : memref<!tpu.dma_semaphore, #tpu.memory_space<semaphore_mem>>
      %dma_start3A_657 = arith.constant 0 : i32
      %dma_start3A_658 = tpu.memref_slice %arg16[%mul3A_494, %dma_start3A_657] : memref<128x128xi32, #tpu.memory_space<hbm>> -> memref<4x128xi32, #tpu.memory_space<hbm>>
      %dma_start3A_659 = arith.constant 0 : i32
      %dma_start3A_660 = tpu.memref_slice %arg16[%mul3A_494, %dma_start3A_659] : memref<128x128xi32, #tpu.memory_space<hbm>> -> memref<4x128xi32, #tpu.memory_space<hbm>>
      tpu.enqueue_dma source(%dma_start3A_660 : memref<4x128xi32, #tpu.memory_space<hbm>>) target(%arg26 : memref<4x128xi32, #tpu.memory_space<vmem>>) target_semaphore(%run_scoped3A : memref<!tpu.dma_semaphore, #tpu.memory_space<semaphore_mem>>)
      %dma_wait3A_661 = arith.constant 0 : i32
      %dma_wait3A_662 = tpu.memref_slice %arg16[%mul3A_494, %dma_wait3A_661] : memref<128x128xi32, #tpu.memory_space<hbm>> -> memref<4x128xi32, #tpu.memory_space<hbm>>
      %dma_wait3A_663 = arith.constant 0 : i32
      %dma_wait3A_664 = tpu.memref_slice %arg16[%mul3A_494, %dma_wait3A_663] : memref<128x128xi32, #tpu.memory_space<hbm>> -> memref<4x128xi32, #tpu.memory_space<hbm>>
      tpu.wait_dma2 semaphore(%run_scoped3A : memref<!tpu.dma_semaphore, #tpu.memory_space<semaphore_mem>>) src(%dma_wait3A_664 : memref<4x128xi32, #tpu.memory_space<hbm>>) dst(%arg26 : memref<4x128xi32, #tpu.memory_space<vmem>>)
      tpu.yield
    }) : () -> ()
    %dma_start3A_495 = arith.constant 0 : i32
    %dma_start3A_496 = arith.constant 0 : i32
    %dma_start3A_497 = arith.constant 0 : i32
    %dma_start3A_498 = tpu.memref_slice %arg27[%dma_start3A_496, %dma_start3A_497] : memref<512x32xf32, #tpu.memory_space<vmem>> -> memref<128x32xf32, #tpu.memory_space<vmem>>
    %dma_start3A_499 = arith.constant 0 : i32
    %dma_start3A_500 = tpu.memref_slice %arg26[%dma_start3A_495, %dma_start3A_499] : memref<4x128xi32, #tpu.memory_space<vmem>> -> memref<1x128xi32, #tpu.memory_space<vmem>>
    %dma_start3A_501 = tpu.memref_squeeze %dma_start3A_500 : memref<1x128xi32, #tpu.memory_space<vmem>> -> memref<128xi32, #tpu.memory_space<vmem>>
    %dma_start3A_502 = arith.constant 0 : i32
    %dma_start3A_503 = arith.constant 0 : i32
    %dma_start3A_504 = tpu.memref_slice %arg8[%dma_start3A_502, %dma_start3A_503] : memref<10001x32xf32, #tpu.memory_space<hbm>> -> memref<10001x32xf32, #tpu.memory_space<hbm>>
    tpu.enqueue_indirect_dma source(%dma_start3A_504 : memref<10001x32xf32, #tpu.memory_space<hbm>>) target(%dma_start3A_498 : memref<128x32xf32, #tpu.memory_space<vmem>>) offsets(%dma_start3A_501 : memref<128xi32, #tpu.memory_space<vmem>>) semaphore(%arg28 : memref<!tpu.dma_semaphore, #tpu.memory_space<semaphore_mem>>)
    %dma_start3A_505 = arith.constant 1 : i32
    %dma_start3A_506 = arith.constant 128 : i32
    %dma_start3A_507 = arith.constant 0 : i32
    %dma_start3A_508 = tpu.memref_slice %arg27[%dma_start3A_506, %dma_start3A_507] : memref<512x32xf32, #tpu.memory_space<vmem>> -> memref<128x32xf32, #tpu.memory_space<vmem>>
    %dma_start3A_509 = arith.constant 0 : i32
    %dma_start3A_510 = tpu.memref_slice %arg26[%dma_start3A_505, %dma_start3A_509] : memref<4x128xi32, #tpu.memory_space<vmem>> -> memref<1x128xi32, #tpu.memory_space<vmem>>
    %dma_start3A_511 = tpu.memref_squeeze %dma_start3A_510 : memref<1x128xi32, #tpu.memory_space<vmem>> -> memref<128xi32, #tpu.memory_space<vmem>>
    %dma_start3A_512 = arith.constant 0 : i32
    %dma_start3A_513 = arith.constant 0 : i32
    %dma_start3A_514 = tpu.memref_slice %arg8[%dma_start3A_512, %dma_start3A_513] : memref<10001x32xf32, #tpu.memory_space<hbm>> -> memref<10001x32xf32, #tpu.memory_space<hbm>>
    tpu.enqueue_indirect_dma source(%dma_start3A_514 : memref<10001x32xf32, #tpu.memory_space<hbm>>) target(%dma_start3A_508 : memref<128x32xf32, #tpu.memory_space<vmem>>) offsets(%dma_start3A_511 : memref<128xi32, #tpu.memory_space<vmem>>) semaphore(%arg28 : memref<!tpu.dma_semaphore, #tpu.memory_space<semaphore_mem>>)
    %dma_start3A_515 = arith.constant 2 : i32
    %dma_start3A_516 = arith.constant 256 : i32
    %dma_start3A_517 = arith.constant 0 : i32
    %dma_start3A_518 = tpu.memref_slice %arg27[%dma_start3A_516, %dma_start3A_517] : memref<512x32xf32, #tpu.memory_space<vmem>> -> memref<128x32xf32, #tpu.memory_space<vmem>>
    %dma_start3A_519 = arith.constant 0 : i32
    %dma_start3A_520 = tpu.memref_slice %arg26[%dma_start3A_515, %dma_start3A_519] : memref<4x128xi32, #tpu.memory_space<vmem>> -> memref<1x128xi32, #tpu.memory_space<vmem>>
    %dma_start3A_521 = tpu.memref_squeeze %dma_start3A_520 : memref<1x128xi32, #tpu.memory_space<vmem>> -> memref<128xi32, #tpu.memory_space<vmem>>
    %dma_start3A_522 = arith.constant 0 : i32
    %dma_start3A_523 = arith.constant 0 : i32
    %dma_start3A_524 = tpu.memref_slice %arg8[%dma_start3A_522, %dma_start3A_523] : memref<10001x32xf32, #tpu.memory_space<hbm>> -> memref<10001x32xf32, #tpu.memory_space<hbm>>
    tpu.enqueue_indirect_dma source(%dma_start3A_524 : memref<10001x32xf32, #tpu.memory_space<hbm>>) target(%dma_start3A_518 : memref<128x32xf32, #tpu.memory_space<vmem>>) offsets(%dma_start3A_521 : memref<128xi32, #tpu.memory_space<vmem>>) semaphore(%arg28 : memref<!tpu.dma_semaphore, #tpu.memory_space<semaphore_mem>>)
    %dma_start3A_525 = arith.constant 3 : i32
    %dma_start3A_526 = arith.constant 384 : i32
    %dma_start3A_527 = arith.constant 0 : i32
    %dma_start3A_528 = tpu.memref_slice %arg27[%dma_start3A_526, %dma_start3A_527] : memref<512x32xf32, #tpu.memory_space<vmem>> -> memref<128x32xf32, #tpu.memory_space<vmem>>
    %dma_start3A_529 = arith.constant 0 : i32
    %dma_start3A_530 = tpu.memref_slice %arg26[%dma_start3A_525, %dma_start3A_529] : memref<4x128xi32, #tpu.memory_space<vmem>> -> memref<1x128xi32, #tpu.memory_space<vmem>>
    %dma_start3A_531 = tpu.memref_squeeze %dma_start3A_530 : memref<1x128xi32, #tpu.memory_space<vmem>> -> memref<128xi32, #tpu.memory_space<vmem>>
    %dma_start3A_532 = arith.constant 0 : i32
    %dma_start3A_533 = arith.constant 0 : i32
    %dma_start3A_534 = tpu.memref_slice %arg8[%dma_start3A_532, %dma_start3A_533] : memref<10001x32xf32, #tpu.memory_space<hbm>> -> memref<10001x32xf32, #tpu.memory_space<hbm>>
    tpu.enqueue_indirect_dma source(%dma_start3A_534 : memref<10001x32xf32, #tpu.memory_space<hbm>>) target(%dma_start3A_528 : memref<128x32xf32, #tpu.memory_space<vmem>>) offsets(%dma_start3A_531 : memref<128xi32, #tpu.memory_space<vmem>>) semaphore(%arg28 : memref<!tpu.dma_semaphore, #tpu.memory_space<semaphore_mem>>)
    %dma_wait3A_535 = arith.constant 0 : i32
    %dma_wait3A_536 = arith.constant 0 : i32
    %dma_wait3A_537 = arith.constant 0 : i32
    %dma_wait3A_538 = tpu.memref_slice %arg27[%dma_wait3A_536, %dma_wait3A_537] : memref<512x32xf32, #tpu.memory_space<vmem>> -> memref<128x32xf32, #tpu.memory_space<vmem>>
    %dma_wait3A_539 = arith.constant 0 : i32
    %dma_wait3A_540 = tpu.memref_slice %arg26[%dma_wait3A_535, %dma_wait3A_539] : memref<4x128xi32, #tpu.memory_space<vmem>> -> memref<1x128xi32, #tpu.memory_space<vmem>>
    %dma_wait3A_541 = tpu.memref_squeeze %dma_wait3A_540 : memref<1x128xi32, #tpu.memory_space<vmem>> -> memref<128xi32, #tpu.memory_space<vmem>>
    %dma_wait3A_542 = arith.constant 0 : i32
    %dma_wait3A_543 = arith.constant 0 : i32
    %dma_wait3A_544 = tpu.memref_slice %arg8[%dma_wait3A_542, %dma_wait3A_543] : memref<10001x32xf32, #tpu.memory_space<hbm>> -> memref<10001x32xf32, #tpu.memory_space<hbm>>
    tpu.wait_indirect_dma semaphore(%arg28 : memref<!tpu.dma_semaphore, #tpu.memory_space<semaphore_mem>>) src(%dma_wait3A_544 : memref<10001x32xf32, #tpu.memory_space<hbm>>) dst(%dma_wait3A_538 : memref<128x32xf32, #tpu.memory_space<vmem>>)
    %dma_wait3A_545 = arith.constant 1 : i32
    %dma_wait3A_546 = arith.constant 128 : i32
    %dma_wait3A_547 = arith.constant 0 : i32
    %dma_wait3A_548 = tpu.memref_slice %arg27[%dma_wait3A_546, %dma_wait3A_547] : memref<512x32xf32, #tpu.memory_space<vmem>> -> memref<128x32xf32, #tpu.memory_space<vmem>>
    %dma_wait3A_549 = arith.constant 0 : i32
    %dma_wait3A_550 = tpu.memref_slice %arg26[%dma_wait3A_545, %dma_wait3A_549] : memref<4x128xi32, #tpu.memory_space<vmem>> -> memref<1x128xi32, #tpu.memory_space<vmem>>
    %dma_wait3A_551 = tpu.memref_squeeze %dma_wait3A_550 : memref<1x128xi32, #tpu.memory_space<vmem>> -> memref<128xi32, #tpu.memory_space<vmem>>
    %dma_wait3A_552 = arith.constant 0 : i32
    %dma_wait3A_553 = arith.constant 0 : i32
    %dma_wait3A_554 = tpu.memref_slice %arg8[%dma_wait3A_552, %dma_wait3A_553] : memref<10001x32xf32, #tpu.memory_space<hbm>> -> memref<10001x32xf32, #tpu.memory_space<hbm>>
    tpu.wait_indirect_dma semaphore(%arg28 : memref<!tpu.dma_semaphore, #tpu.memory_space<semaphore_mem>>) src(%dma_wait3A_554 : memref<10001x32xf32, #tpu.memory_space<hbm>>) dst(%dma_wait3A_548 : memref<128x32xf32, #tpu.memory_space<vmem>>)
    %dma_wait3A_555 = arith.constant 2 : i32
    %dma_wait3A_556 = arith.constant 256 : i32
    %dma_wait3A_557 = arith.constant 0 : i32
    %dma_wait3A_558 = tpu.memref_slice %arg27[%dma_wait3A_556, %dma_wait3A_557] : memref<512x32xf32, #tpu.memory_space<vmem>> -> memref<128x32xf32, #tpu.memory_space<vmem>>
    %dma_wait3A_559 = arith.constant 0 : i32
    %dma_wait3A_560 = tpu.memref_slice %arg26[%dma_wait3A_555, %dma_wait3A_559] : memref<4x128xi32, #tpu.memory_space<vmem>> -> memref<1x128xi32, #tpu.memory_space<vmem>>
    %dma_wait3A_561 = tpu.memref_squeeze %dma_wait3A_560 : memref<1x128xi32, #tpu.memory_space<vmem>> -> memref<128xi32, #tpu.memory_space<vmem>>
    %dma_wait3A_562 = arith.constant 0 : i32
    %dma_wait3A_563 = arith.constant 0 : i32
    %dma_wait3A_564 = tpu.memref_slice %arg8[%dma_wait3A_562, %dma_wait3A_563] : memref<10001x32xf32, #tpu.memory_space<hbm>> -> memref<10001x32xf32, #tpu.memory_space<hbm>>
    tpu.wait_indirect_dma semaphore(%arg28 : memref<!tpu.dma_semaphore, #tpu.memory_space<semaphore_mem>>) src(%dma_wait3A_564 : memref<10001x32xf32, #tpu.memory_space<hbm>>) dst(%dma_wait3A_558 : memref<128x32xf32, #tpu.memory_space<vmem>>)
    %dma_wait3A_565 = arith.constant 3 : i32
    %dma_wait3A_566 = arith.constant 384 : i32
    %dma_wait3A_567 = arith.constant 0 : i32
    %dma_wait3A_568 = tpu.memref_slice %arg27[%dma_wait3A_566, %dma_wait3A_567] : memref<512x32xf32, #tpu.memory_space<vmem>> -> memref<128x32xf32, #tpu.memory_space<vmem>>
    %dma_wait3A_569 = arith.constant 0 : i32
    %dma_wait3A_570 = tpu.memref_slice %arg26[%dma_wait3A_565, %dma_wait3A_569] : memref<4x128xi32, #tpu.memory_space<vmem>> -> memref<1x128xi32, #tpu.memory_space<vmem>>
    %dma_wait3A_571 = tpu.memref_squeeze %dma_wait3A_570 : memref<1x128xi32, #tpu.memory_space<vmem>> -> memref<128xi32, #tpu.memory_space<vmem>>
    %dma_wait3A_572 = arith.constant 0 : i32
    %dma_wait3A_573 = arith.constant 0 : i32
    %dma_wait3A_574 = tpu.memref_slice %arg8[%dma_wait3A_572, %dma_wait3A_573] : memref<10001x32xf32, #tpu.memory_space<hbm>> -> memref<10001x32xf32, #tpu.memory_space<hbm>>
    tpu.wait_indirect_dma semaphore(%arg28 : memref<!tpu.dma_semaphore, #tpu.memory_space<semaphore_mem>>) src(%dma_wait3A_574 : memref<10001x32xf32, #tpu.memory_space<hbm>>) dst(%dma_wait3A_568 : memref<128x32xf32, #tpu.memory_space<vmem>>)
    "tpu.region"() ({
      %run_scoped3A = tpu.sem_alloc : memref<!tpu.dma_semaphore, #tpu.memory_space<semaphore_mem>>
      %dma_start3A_657 = arith.constant 0 : i32
      %dma_start3A_658 = tpu.memref_slice %arg24[%mul3A_2, %dma_start3A_657] : memref<16384x32xf32, #tpu.memory_space<hbm>> -> memref<512x32xf32, #tpu.memory_space<hbm>>
      %dma_start3A_659 = arith.constant 0 : i32
      %dma_start3A_660 = tpu.memref_slice %arg24[%mul3A_2, %dma_start3A_659] : memref<16384x32xf32, #tpu.memory_space<hbm>> -> memref<512x32xf32, #tpu.memory_space<hbm>>
      tpu.enqueue_dma source(%arg27 : memref<512x32xf32, #tpu.memory_space<vmem>>) target(%dma_start3A_660 : memref<512x32xf32, #tpu.memory_space<hbm>>) target_semaphore(%run_scoped3A : memref<!tpu.dma_semaphore, #tpu.memory_space<semaphore_mem>>)
      %dma_wait3A_661 = arith.constant 0 : i32
      %dma_wait3A_662 = tpu.memref_slice %arg24[%mul3A_2, %dma_wait3A_661] : memref<16384x32xf32, #tpu.memory_space<hbm>> -> memref<512x32xf32, #tpu.memory_space<hbm>>
      %dma_wait3A_663 = arith.constant 0 : i32
      %dma_wait3A_664 = tpu.memref_slice %arg24[%mul3A_2, %dma_wait3A_663] : memref<16384x32xf32, #tpu.memory_space<hbm>> -> memref<512x32xf32, #tpu.memory_space<hbm>>
      tpu.wait_dma2 semaphore(%run_scoped3A : memref<!tpu.dma_semaphore, #tpu.memory_space<semaphore_mem>>) src(%arg27 : memref<512x32xf32, #tpu.memory_space<vmem>>) dst(%dma_wait3A_664 : memref<512x32xf32, #tpu.memory_space<hbm>>)
      tpu.yield
    }) : () -> ()
    %mul3A_575 = arith.constant 4 : i32
    %mul3A_576 = arith.muli %add3A, %mul3A_575 : i32
    "tpu.region"() ({
      %run_scoped3A = tpu.sem_alloc : memref<!tpu.dma_semaphore, #tpu.memory_space<semaphore_mem>>
      %dma_start3A_657 = arith.constant 0 : i32
      %dma_start3A_658 = tpu.memref_slice %arg17[%mul3A_576, %dma_start3A_657] : memref<128x128xi32, #tpu.memory_space<hbm>> -> memref<4x128xi32, #tpu.memory_space<hbm>>
      %dma_start3A_659 = arith.constant 0 : i32
      %dma_start3A_660 = tpu.memref_slice %arg17[%mul3A_576, %dma_start3A_659] : memref<128x128xi32, #tpu.memory_space<hbm>> -> memref<4x128xi32, #tpu.memory_space<hbm>>
      tpu.enqueue_dma source(%dma_start3A_660 : memref<4x128xi32, #tpu.memory_space<hbm>>) target(%arg26 : memref<4x128xi32, #tpu.memory_space<vmem>>) target_semaphore(%run_scoped3A : memref<!tpu.dma_semaphore, #tpu.memory_space<semaphore_mem>>)
      %dma_wait3A_661 = arith.constant 0 : i32
      %dma_wait3A_662 = tpu.memref_slice %arg17[%mul3A_576, %dma_wait3A_661] : memref<128x128xi32, #tpu.memory_space<hbm>> -> memref<4x128xi32, #tpu.memory_space<hbm>>
      %dma_wait3A_663 = arith.constant 0 : i32
      %dma_wait3A_664 = tpu.memref_slice %arg17[%mul3A_576, %dma_wait3A_663] : memref<128x128xi32, #tpu.memory_space<hbm>> -> memref<4x128xi32, #tpu.memory_space<hbm>>
      tpu.wait_dma2 semaphore(%run_scoped3A : memref<!tpu.dma_semaphore, #tpu.memory_space<semaphore_mem>>) src(%dma_wait3A_664 : memref<4x128xi32, #tpu.memory_space<hbm>>) dst(%arg26 : memref<4x128xi32, #tpu.memory_space<vmem>>)
      tpu.yield
    }) : () -> ()
    %dma_start3A_577 = arith.constant 0 : i32
    %dma_start3A_578 = arith.constant 0 : i32
    %dma_start3A_579 = arith.constant 0 : i32
    %dma_start3A_580 = tpu.memref_slice %arg27[%dma_start3A_578, %dma_start3A_579] : memref<512x32xf32, #tpu.memory_space<vmem>> -> memref<128x32xf32, #tpu.memory_space<vmem>>
    %dma_start3A_581 = arith.constant 0 : i32
    %dma_start3A_582 = tpu.memref_slice %arg26[%dma_start3A_577, %dma_start3A_581] : memref<4x128xi32, #tpu.memory_space<vmem>> -> memref<1x128xi32, #tpu.memory_space<vmem>>
    %dma_start3A_583 = tpu.memref_squeeze %dma_start3A_582 : memref<1x128xi32, #tpu.memory_space<vmem>> -> memref<128xi32, #tpu.memory_space<vmem>>
    %dma_start3A_584 = arith.constant 0 : i32
    %dma_start3A_585 = arith.constant 0 : i32
    %dma_start3A_586 = tpu.memref_slice %arg9[%dma_start3A_584, %dma_start3A_585] : memref<101x32xf32, #tpu.memory_space<hbm>> -> memref<101x32xf32, #tpu.memory_space<hbm>>
    tpu.enqueue_indirect_dma source(%dma_start3A_586 : memref<101x32xf32, #tpu.memory_space<hbm>>) target(%dma_start3A_580 : memref<128x32xf32, #tpu.memory_space<vmem>>) offsets(%dma_start3A_583 : memref<128xi32, #tpu.memory_space<vmem>>) semaphore(%arg28 : memref<!tpu.dma_semaphore, #tpu.memory_space<semaphore_mem>>)
    %dma_start3A_587 = arith.constant 1 : i32
    %dma_start3A_588 = arith.constant 128 : i32
    %dma_start3A_589 = arith.constant 0 : i32
    %dma_start3A_590 = tpu.memref_slice %arg27[%dma_start3A_588, %dma_start3A_589] : memref<512x32xf32, #tpu.memory_space<vmem>> -> memref<128x32xf32, #tpu.memory_space<vmem>>
    %dma_start3A_591 = arith.constant 0 : i32
    %dma_start3A_592 = tpu.memref_slice %arg26[%dma_start3A_587, %dma_start3A_591] : memref<4x128xi32, #tpu.memory_space<vmem>> -> memref<1x128xi32, #tpu.memory_space<vmem>>
    %dma_start3A_593 = tpu.memref_squeeze %dma_start3A_592 : memref<1x128xi32, #tpu.memory_space<vmem>> -> memref<128xi32, #tpu.memory_space<vmem>>
    %dma_start3A_594 = arith.constant 0 : i32
    %dma_start3A_595 = arith.constant 0 : i32
    %dma_start3A_596 = tpu.memref_slice %arg9[%dma_start3A_594, %dma_start3A_595] : memref<101x32xf32, #tpu.memory_space<hbm>> -> memref<101x32xf32, #tpu.memory_space<hbm>>
    tpu.enqueue_indirect_dma source(%dma_start3A_596 : memref<101x32xf32, #tpu.memory_space<hbm>>) target(%dma_start3A_590 : memref<128x32xf32, #tpu.memory_space<vmem>>) offsets(%dma_start3A_593 : memref<128xi32, #tpu.memory_space<vmem>>) semaphore(%arg28 : memref<!tpu.dma_semaphore, #tpu.memory_space<semaphore_mem>>)
    %dma_start3A_597 = arith.constant 2 : i32
    %dma_start3A_598 = arith.constant 256 : i32
    %dma_start3A_599 = arith.constant 0 : i32
    %dma_start3A_600 = tpu.memref_slice %arg27[%dma_start3A_598, %dma_start3A_599] : memref<512x32xf32, #tpu.memory_space<vmem>> -> memref<128x32xf32, #tpu.memory_space<vmem>>
    %dma_start3A_601 = arith.constant 0 : i32
    %dma_start3A_602 = tpu.memref_slice %arg26[%dma_start3A_597, %dma_start3A_601] : memref<4x128xi32, #tpu.memory_space<vmem>> -> memref<1x128xi32, #tpu.memory_space<vmem>>
    %dma_start3A_603 = tpu.memref_squeeze %dma_start3A_602 : memref<1x128xi32, #tpu.memory_space<vmem>> -> memref<128xi32, #tpu.memory_space<vmem>>
    %dma_start3A_604 = arith.constant 0 : i32
    %dma_start3A_605 = arith.constant 0 : i32
    %dma_start3A_606 = tpu.memref_slice %arg9[%dma_start3A_604, %dma_start3A_605] : memref<101x32xf32, #tpu.memory_space<hbm>> -> memref<101x32xf32, #tpu.memory_space<hbm>>
    tpu.enqueue_indirect_dma source(%dma_start3A_606 : memref<101x32xf32, #tpu.memory_space<hbm>>) target(%dma_start3A_600 : memref<128x32xf32, #tpu.memory_space<vmem>>) offsets(%dma_start3A_603 : memref<128xi32, #tpu.memory_space<vmem>>) semaphore(%arg28 : memref<!tpu.dma_semaphore, #tpu.memory_space<semaphore_mem>>)
    %dma_start3A_607 = arith.constant 3 : i32
    %dma_start3A_608 = arith.constant 384 : i32
    %dma_start3A_609 = arith.constant 0 : i32
    %dma_start3A_610 = tpu.memref_slice %arg27[%dma_start3A_608, %dma_start3A_609] : memref<512x32xf32, #tpu.memory_space<vmem>> -> memref<128x32xf32, #tpu.memory_space<vmem>>
    %dma_start3A_611 = arith.constant 0 : i32
    %dma_start3A_612 = tpu.memref_slice %arg26[%dma_start3A_607, %dma_start3A_611] : memref<4x128xi32, #tpu.memory_space<vmem>> -> memref<1x128xi32, #tpu.memory_space<vmem>>
    %dma_start3A_613 = tpu.memref_squeeze %dma_start3A_612 : memref<1x128xi32, #tpu.memory_space<vmem>> -> memref<128xi32, #tpu.memory_space<vmem>>
    %dma_start3A_614 = arith.constant 0 : i32
    %dma_start3A_615 = arith.constant 0 : i32
    %dma_start3A_616 = tpu.memref_slice %arg9[%dma_start3A_614, %dma_start3A_615] : memref<101x32xf32, #tpu.memory_space<hbm>> -> memref<101x32xf32, #tpu.memory_space<hbm>>
    tpu.enqueue_indirect_dma source(%dma_start3A_616 : memref<101x32xf32, #tpu.memory_space<hbm>>) target(%dma_start3A_610 : memref<128x32xf32, #tpu.memory_space<vmem>>) offsets(%dma_start3A_613 : memref<128xi32, #tpu.memory_space<vmem>>) semaphore(%arg28 : memref<!tpu.dma_semaphore, #tpu.memory_space<semaphore_mem>>)
    %dma_wait3A_617 = arith.constant 0 : i32
    %dma_wait3A_618 = arith.constant 0 : i32
    %dma_wait3A_619 = arith.constant 0 : i32
    %dma_wait3A_620 = tpu.memref_slice %arg27[%dma_wait3A_618, %dma_wait3A_619] : memref<512x32xf32, #tpu.memory_space<vmem>> -> memref<128x32xf32, #tpu.memory_space<vmem>>
    %dma_wait3A_621 = arith.constant 0 : i32
    %dma_wait3A_622 = tpu.memref_slice %arg26[%dma_wait3A_617, %dma_wait3A_621] : memref<4x128xi32, #tpu.memory_space<vmem>> -> memref<1x128xi32, #tpu.memory_space<vmem>>
    %dma_wait3A_623 = tpu.memref_squeeze %dma_wait3A_622 : memref<1x128xi32, #tpu.memory_space<vmem>> -> memref<128xi32, #tpu.memory_space<vmem>>
    %dma_wait3A_624 = arith.constant 0 : i32
    %dma_wait3A_625 = arith.constant 0 : i32
    %dma_wait3A_626 = tpu.memref_slice %arg9[%dma_wait3A_624, %dma_wait3A_625] : memref<101x32xf32, #tpu.memory_space<hbm>> -> memref<101x32xf32, #tpu.memory_space<hbm>>
    tpu.wait_indirect_dma semaphore(%arg28 : memref<!tpu.dma_semaphore, #tpu.memory_space<semaphore_mem>>) src(%dma_wait3A_626 : memref<101x32xf32, #tpu.memory_space<hbm>>) dst(%dma_wait3A_620 : memref<128x32xf32, #tpu.memory_space<vmem>>)
    %dma_wait3A_627 = arith.constant 1 : i32
    %dma_wait3A_628 = arith.constant 128 : i32
    %dma_wait3A_629 = arith.constant 0 : i32
    %dma_wait3A_630 = tpu.memref_slice %arg27[%dma_wait3A_628, %dma_wait3A_629] : memref<512x32xf32, #tpu.memory_space<vmem>> -> memref<128x32xf32, #tpu.memory_space<vmem>>
    %dma_wait3A_631 = arith.constant 0 : i32
    %dma_wait3A_632 = tpu.memref_slice %arg26[%dma_wait3A_627, %dma_wait3A_631] : memref<4x128xi32, #tpu.memory_space<vmem>> -> memref<1x128xi32, #tpu.memory_space<vmem>>
    %dma_wait3A_633 = tpu.memref_squeeze %dma_wait3A_632 : memref<1x128xi32, #tpu.memory_space<vmem>> -> memref<128xi32, #tpu.memory_space<vmem>>
    %dma_wait3A_634 = arith.constant 0 : i32
    %dma_wait3A_635 = arith.constant 0 : i32
    %dma_wait3A_636 = tpu.memref_slice %arg9[%dma_wait3A_634, %dma_wait3A_635] : memref<101x32xf32, #tpu.memory_space<hbm>> -> memref<101x32xf32, #tpu.memory_space<hbm>>
    tpu.wait_indirect_dma semaphore(%arg28 : memref<!tpu.dma_semaphore, #tpu.memory_space<semaphore_mem>>) src(%dma_wait3A_636 : memref<101x32xf32, #tpu.memory_space<hbm>>) dst(%dma_wait3A_630 : memref<128x32xf32, #tpu.memory_space<vmem>>)
    %dma_wait3A_637 = arith.constant 2 : i32
    %dma_wait3A_638 = arith.constant 256 : i32
    %dma_wait3A_639 = arith.constant 0 : i32
    %dma_wait3A_640 = tpu.memref_slice %arg27[%dma_wait3A_638, %dma_wait3A_639] : memref<512x32xf32, #tpu.memory_space<vmem>> -> memref<128x32xf32, #tpu.memory_space<vmem>>
    %dma_wait3A_641 = arith.constant 0 : i32
    %dma_wait3A_642 = tpu.memref_slice %arg26[%dma_wait3A_637, %dma_wait3A_641] : memref<4x128xi32, #tpu.memory_space<vmem>> -> memref<1x128xi32, #tpu.memory_space<vmem>>
    %dma_wait3A_643 = tpu.memref_squeeze %dma_wait3A_642 : memref<1x128xi32, #tpu.memory_space<vmem>> -> memref<128xi32, #tpu.memory_space<vmem>>
    %dma_wait3A_644 = arith.constant 0 : i32
    %dma_wait3A_645 = arith.constant 0 : i32
    %dma_wait3A_646 = tpu.memref_slice %arg9[%dma_wait3A_644, %dma_wait3A_645] : memref<101x32xf32, #tpu.memory_space<hbm>> -> memref<101x32xf32, #tpu.memory_space<hbm>>
    tpu.wait_indirect_dma semaphore(%arg28 : memref<!tpu.dma_semaphore, #tpu.memory_space<semaphore_mem>>) src(%dma_wait3A_646 : memref<101x32xf32, #tpu.memory_space<hbm>>) dst(%dma_wait3A_640 : memref<128x32xf32, #tpu.memory_space<vmem>>)
    %dma_wait3A_647 = arith.constant 3 : i32
    %dma_wait3A_648 = arith.constant 384 : i32
    %dma_wait3A_649 = arith.constant 0 : i32
    %dma_wait3A_650 = tpu.memref_slice %arg27[%dma_wait3A_648, %dma_wait3A_649] : memref<512x32xf32, #tpu.memory_space<vmem>> -> memref<128x32xf32, #tpu.memory_space<vmem>>
    %dma_wait3A_651 = arith.constant 0 : i32
    %dma_wait3A_652 = tpu.memref_slice %arg26[%dma_wait3A_647, %dma_wait3A_651] : memref<4x128xi32, #tpu.memory_space<vmem>> -> memref<1x128xi32, #tpu.memory_space<vmem>>
    %dma_wait3A_653 = tpu.memref_squeeze %dma_wait3A_652 : memref<1x128xi32, #tpu.memory_space<vmem>> -> memref<128xi32, #tpu.memory_space<vmem>>
    %dma_wait3A_654 = arith.constant 0 : i32
    %dma_wait3A_655 = arith.constant 0 : i32
    %dma_wait3A_656 = tpu.memref_slice %arg9[%dma_wait3A_654, %dma_wait3A_655] : memref<101x32xf32, #tpu.memory_space<hbm>> -> memref<101x32xf32, #tpu.memory_space<hbm>>
    tpu.wait_indirect_dma semaphore(%arg28 : memref<!tpu.dma_semaphore, #tpu.memory_space<semaphore_mem>>) src(%dma_wait3A_656 : memref<101x32xf32, #tpu.memory_space<hbm>>) dst(%dma_wait3A_650 : memref<128x32xf32, #tpu.memory_space<vmem>>)
    "tpu.region"() ({
      %run_scoped3A = tpu.sem_alloc : memref<!tpu.dma_semaphore, #tpu.memory_space<semaphore_mem>>
      %dma_start3A_657 = arith.constant 0 : i32
      %dma_start3A_658 = tpu.memref_slice %arg25[%mul3A_2, %dma_start3A_657] : memref<16384x32xf32, #tpu.memory_space<hbm>> -> memref<512x32xf32, #tpu.memory_space<hbm>>
      %dma_start3A_659 = arith.constant 0 : i32
      %dma_start3A_660 = tpu.memref_slice %arg25[%mul3A_2, %dma_start3A_659] : memref<16384x32xf32, #tpu.memory_space<hbm>> -> memref<512x32xf32, #tpu.memory_space<hbm>>
      tpu.enqueue_dma source(%arg27 : memref<512x32xf32, #tpu.memory_space<vmem>>) target(%dma_start3A_660 : memref<512x32xf32, #tpu.memory_space<hbm>>) target_semaphore(%run_scoped3A : memref<!tpu.dma_semaphore, #tpu.memory_space<semaphore_mem>>)
      %dma_wait3A_661 = arith.constant 0 : i32
      %dma_wait3A_662 = tpu.memref_slice %arg25[%mul3A_2, %dma_wait3A_661] : memref<16384x32xf32, #tpu.memory_space<hbm>> -> memref<512x32xf32, #tpu.memory_space<hbm>>
      %dma_wait3A_663 = arith.constant 0 : i32
      %dma_wait3A_664 = tpu.memref_slice %arg25[%mul3A_2, %dma_wait3A_663] : memref<16384x32xf32, #tpu.memory_space<hbm>> -> memref<512x32xf32, #tpu.memory_space<hbm>>
      tpu.wait_dma2 semaphore(%run_scoped3A : memref<!tpu.dma_semaphore, #tpu.memory_space<semaphore_mem>>) src(%arg27 : memref<512x32xf32, #tpu.memory_space<vmem>>) dst(%dma_wait3A_664 : memref<512x32xf32, #tpu.memory_space<hbm>>)
      tpu.yield
    }) : () -> ()
    return
  }
}

module attributes {stable_mosaic.version = 14 : i64} {
  func.func @_tc_dense_body(%arg0: i32, %arg1: memref<2048x32xf32, #tpu.memory_space<vmem>>, %arg2: memref<2048x32xf32, #tpu.memory_space<vmem>>, %arg3: memref<2048x32xf32, #tpu.memory_space<vmem>>, %arg4: memref<2048x32xf32, #tpu.memory_space<vmem>>, %arg5: memref<2048x32xf32, #tpu.memory_space<vmem>>, %arg6: memref<2048x32xf32, #tpu.memory_space<vmem>>, %arg7: memref<2048x32xf32, #tpu.memory_space<vmem>>, %arg8: memref<2048x32xf32, #tpu.memory_space<vmem>>, %arg9: memref<128x128xf32, #tpu.memory_space<vmem>>, %arg10: memref<1x128xf32, #tpu.memory_space<vmem>>, %arg11: memref<128x64xf32, #tpu.memory_space<vmem>>, %arg12: memref<1x64xf32, #tpu.memory_space<vmem>>, %arg13: memref<128x128xf32, #tpu.memory_space<vmem>>, %arg14: memref<1x128xf32, #tpu.memory_space<vmem>>, %arg15: memref<128x64xf32, #tpu.memory_space<vmem>>, %arg16: memref<1x64xf32, #tpu.memory_space<vmem>>, %arg17: memref<1x1xf32, #tpu.memory_space<vmem>>, %arg18: memref<1x1xf32, #tpu.memory_space<vmem>>, %arg19: memref<2048x1xf32, #tpu.memory_space<vmem>>) attributes {dimension_semantics = [#tpu.dimension_semantics<arbitrary>], iteration_bounds = array<i64: 8>, scalar_prefetch = 0 : i64, scratch_operands = 0 : i64, tpu.core_type = #tpu.core_type<tc>, window_params = [{transform_indices = @transform_0, window_bounds = array<i64: 2048, 32>}, {transform_indices = @transform_1, window_bounds = array<i64: 2048, 32>}, {transform_indices = @transform_2, window_bounds = array<i64: 2048, 32>}, {transform_indices = @transform_3, window_bounds = array<i64: 2048, 32>}, {transform_indices = @transform_4, window_bounds = array<i64: 2048, 32>}, {transform_indices = @transform_5, window_bounds = array<i64: 2048, 32>}, {transform_indices = @transform_6, window_bounds = array<i64: 2048, 32>}, {transform_indices = @transform_7, window_bounds = array<i64: 2048, 32>}, {pipeline_mode = #tpu.pipeline_mode<synchronous>, transform_indices = @transform_8, window_bounds = array<i64: 128, 128>}, {pipeline_mode = #tpu.pipeline_mode<synchronous>, transform_indices = @transform_9, window_bounds = array<i64: 1, 128>}, {pipeline_mode = #tpu.pipeline_mode<synchronous>, transform_indices = @transform_10, window_bounds = array<i64: 128, 64>}, {pipeline_mode = #tpu.pipeline_mode<synchronous>, transform_indices = @transform_11, window_bounds = array<i64: 1, 64>}, {pipeline_mode = #tpu.pipeline_mode<synchronous>, transform_indices = @transform_12, window_bounds = array<i64: 128, 128>}, {pipeline_mode = #tpu.pipeline_mode<synchronous>, transform_indices = @transform_13, window_bounds = array<i64: 1, 128>}, {pipeline_mode = #tpu.pipeline_mode<synchronous>, transform_indices = @transform_14, window_bounds = array<i64: 128, 64>}, {pipeline_mode = #tpu.pipeline_mode<synchronous>, transform_indices = @transform_15, window_bounds = array<i64: 1, 64>}, {pipeline_mode = #tpu.pipeline_mode<synchronous>, transform_indices = @transform_16, window_bounds = array<i64: 1, 1>}, {pipeline_mode = #tpu.pipeline_mode<synchronous>, transform_indices = @transform_17, window_bounds = array<i64: 1, 1>}, {transform_indices = @transform_18, window_bounds = array<i64: 2048, 1>}]} {
    %get3A = arith.constant 0 : index
    %get3A_0 = arith.constant 0 : index
    %get3A_1 = vector.load %arg1[%get3A, %get3A_0] : memref<2048x32xf32, #tpu.memory_space<vmem>>, vector<2048x32xf32>
    %get3A_2 = arith.constant 0 : index
    %get3A_3 = arith.constant 0 : index
    %get3A_4 = vector.load %arg2[%get3A_2, %get3A_3] : memref<2048x32xf32, #tpu.memory_space<vmem>>, vector<2048x32xf32>
    %get3A_5 = arith.constant 0 : index
    %get3A_6 = arith.constant 0 : index
    %get3A_7 = vector.load %arg3[%get3A_5, %get3A_6] : memref<2048x32xf32, #tpu.memory_space<vmem>>, vector<2048x32xf32>
    %get3A_8 = arith.constant 0 : index
    %get3A_9 = arith.constant 0 : index
    %get3A_10 = vector.load %arg4[%get3A_8, %get3A_9] : memref<2048x32xf32, #tpu.memory_space<vmem>>, vector<2048x32xf32>
    %concatenate3A = tpu.concatenate %get3A_1, %get3A_4, %get3A_7, %get3A_10 in 1 : vector<2048x32xf32>, vector<2048x32xf32>, vector<2048x32xf32>, vector<2048x32xf32> -> vector<2048x128xf32>
    %get3A_11 = arith.constant 0 : index
    %get3A_12 = arith.constant 0 : index
    %get3A_13 = vector.load %arg9[%get3A_11, %get3A_12] : memref<128x128xf32, #tpu.memory_space<vmem>>, vector<128x128xf32>
    %dot_general3A = arith.constant dense<0.000000e+00> : vector<2048x128xf32>
    %dot_general3A_14 = tpu.matmul %concatenate3A, %get3A_13, %dot_general3A {dimension_numbers = #tpu.dot_dimension_numbers<[1], [0], [0], [1], [0, 0, 1, 1], [], []>, transpose_lhs_hint = false} : vector<2048x128xf32>, vector<128x128xf32>, vector<2048x128xf32> -> vector<2048x128xf32>
    %get3A_15 = arith.constant 0 : index
    %get3A_16 = arith.constant 0 : index
    %get3A_17 = vector.load %arg10[%get3A_15, %get3A_16] : memref<1x128xf32, #tpu.memory_space<vmem>>, vector<1x128xf32>
    %add3A = vector.broadcast %get3A_17 : vector<1x128xf32> to vector<2048x128xf32>
    %add3A_18 = arith.addf %dot_general3A_14, %add3A : vector<2048x128xf32>
    %max3A = arith.constant 0.000000e+00 : f32
    %max3A_19 = vector.broadcast %max3A : f32 to vector<2048x128xf32>
    %max3A_20 = arith.maximumf %add3A_18, %max3A_19 : vector<2048x128xf32>
    %get3A_21 = arith.constant 0 : index
    %get3A_22 = arith.constant 0 : index
    %get3A_23 = vector.load %arg11[%get3A_21, %get3A_22] : memref<128x64xf32, #tpu.memory_space<vmem>>, vector<128x64xf32>
    %dot_general3A_24 = arith.constant dense<0.000000e+00> : vector<2048x64xf32>
    %dot_general3A_25 = tpu.matmul %max3A_20, %get3A_23, %dot_general3A_24 {dimension_numbers = #tpu.dot_dimension_numbers<[1], [0], [0], [1], [0, 0, 1, 1], [], []>, transpose_lhs_hint = false} : vector<2048x128xf32>, vector<128x64xf32>, vector<2048x64xf32> -> vector<2048x64xf32>
    %get3A_26 = arith.constant 0 : index
    %get3A_27 = arith.constant 0 : index
    %get3A_28 = vector.load %arg12[%get3A_26, %get3A_27] : memref<1x64xf32, #tpu.memory_space<vmem>>, vector<1x64xf32>
    %add3A_29 = vector.broadcast %get3A_28 : vector<1x64xf32> to vector<2048x64xf32>
    %add3A_30 = arith.addf %dot_general3A_25, %add3A_29 : vector<2048x64xf32>
    %max3A_31 = arith.constant 0.000000e+00 : f32
    %max3A_32 = vector.broadcast %max3A_31 : f32 to vector<2048x64xf32>
    %max3A_33 = arith.maximumf %add3A_30, %max3A_32 : vector<2048x64xf32>
    %get3A_34 = arith.constant 0 : index
    %get3A_35 = arith.constant 0 : index
    %get3A_36 = vector.load %arg5[%get3A_34, %get3A_35] : memref<2048x32xf32, #tpu.memory_space<vmem>>, vector<2048x32xf32>
    %get3A_37 = arith.constant 0 : index
    %get3A_38 = arith.constant 0 : index
    %get3A_39 = vector.load %arg6[%get3A_37, %get3A_38] : memref<2048x32xf32, #tpu.memory_space<vmem>>, vector<2048x32xf32>
    %get3A_40 = arith.constant 0 : index
    %get3A_41 = arith.constant 0 : index
    %get3A_42 = vector.load %arg7[%get3A_40, %get3A_41] : memref<2048x32xf32, #tpu.memory_space<vmem>>, vector<2048x32xf32>
    %get3A_43 = arith.constant 0 : index
    %get3A_44 = arith.constant 0 : index
    %get3A_45 = vector.load %arg8[%get3A_43, %get3A_44] : memref<2048x32xf32, #tpu.memory_space<vmem>>, vector<2048x32xf32>
    %concatenate3A_46 = tpu.concatenate %get3A_36, %get3A_39, %get3A_42, %get3A_45 in 1 : vector<2048x32xf32>, vector<2048x32xf32>, vector<2048x32xf32>, vector<2048x32xf32> -> vector<2048x128xf32>
    %get3A_47 = arith.constant 0 : index
    %get3A_48 = arith.constant 0 : index
    %get3A_49 = vector.load %arg13[%get3A_47, %get3A_48] : memref<128x128xf32, #tpu.memory_space<vmem>>, vector<128x128xf32>
    %dot_general3A_50 = arith.constant dense<0.000000e+00> : vector<2048x128xf32>
    %dot_general3A_51 = tpu.matmul %concatenate3A_46, %get3A_49, %dot_general3A_50 {dimension_numbers = #tpu.dot_dimension_numbers<[1], [0], [0], [1], [0, 0, 1, 1], [], []>, transpose_lhs_hint = false} : vector<2048x128xf32>, vector<128x128xf32>, vector<2048x128xf32> -> vector<2048x128xf32>
    %get3A_52 = arith.constant 0 : index
    %get3A_53 = arith.constant 0 : index
    %get3A_54 = vector.load %arg14[%get3A_52, %get3A_53] : memref<1x128xf32, #tpu.memory_space<vmem>>, vector<1x128xf32>
    %add3A_55 = vector.broadcast %get3A_54 : vector<1x128xf32> to vector<2048x128xf32>
    %add3A_56 = arith.addf %dot_general3A_51, %add3A_55 : vector<2048x128xf32>
    %max3A_57 = arith.constant 0.000000e+00 : f32
    %max3A_58 = vector.broadcast %max3A_57 : f32 to vector<2048x128xf32>
    %max3A_59 = arith.maximumf %add3A_56, %max3A_58 : vector<2048x128xf32>
    %get3A_60 = arith.constant 0 : index
    %get3A_61 = arith.constant 0 : index
    %get3A_62 = vector.load %arg15[%get3A_60, %get3A_61] : memref<128x64xf32, #tpu.memory_space<vmem>>, vector<128x64xf32>
    %dot_general3A_63 = arith.constant dense<0.000000e+00> : vector<2048x64xf32>
    %dot_general3A_64 = tpu.matmul %max3A_59, %get3A_62, %dot_general3A_63 {dimension_numbers = #tpu.dot_dimension_numbers<[1], [0], [0], [1], [0, 0, 1, 1], [], []>, transpose_lhs_hint = false} : vector<2048x128xf32>, vector<128x64xf32>, vector<2048x64xf32> -> vector<2048x64xf32>
    %get3A_65 = arith.constant 0 : index
    %get3A_66 = arith.constant 0 : index
    %get3A_67 = vector.load %arg16[%get3A_65, %get3A_66] : memref<1x64xf32, #tpu.memory_space<vmem>>, vector<1x64xf32>
    %add3A_68 = vector.broadcast %get3A_67 : vector<1x64xf32> to vector<2048x64xf32>
    %add3A_69 = arith.addf %dot_general3A_64, %add3A_68 : vector<2048x64xf32>
    %max3A_70 = arith.constant 0.000000e+00 : f32
    %max3A_71 = vector.broadcast %max3A_70 : f32 to vector<2048x64xf32>
    %max3A_72 = arith.maximumf %add3A_69, %max3A_71 : vector<2048x64xf32>
    %mul3A = arith.mulf %max3A_33, %max3A_72 : vector<2048x64xf32>
    %reduce_sum3A = arith.constant dense<0.000000e+00> : vector<2048xf32>
    %reduce_sum3A_73 = vector.multi_reduction <add>, %mul3A, %reduce_sum3A [1] : vector<2048x64xf32> to vector<2048xf32>
    %broadcast_in_dim3A = vector.shape_cast %reduce_sum3A_73 : vector<2048xf32> to vector<2048x1xf32>
    %mul3A_74 = arith.mulf %max3A_33, %max3A_33 : vector<2048x64xf32>
    %reduce_sum3A_75 = arith.constant dense<0.000000e+00> : vector<2048xf32>
    %reduce_sum3A_76 = vector.multi_reduction <add>, %mul3A_74, %reduce_sum3A_75 [1] : vector<2048x64xf32> to vector<2048xf32>
    %broadcast_in_dim3A_77 = vector.shape_cast %reduce_sum3A_76 : vector<2048xf32> to vector<2048x1xf32>
    %sqrt3A = math.sqrt %broadcast_in_dim3A_77 : vector<2048x1xf32>
    %mul3A_78 = arith.mulf %max3A_72, %max3A_72 : vector<2048x64xf32>
    %reduce_sum3A_79 = arith.constant dense<0.000000e+00> : vector<2048xf32>
    %reduce_sum3A_80 = vector.multi_reduction <add>, %mul3A_78, %reduce_sum3A_79 [1] : vector<2048x64xf32> to vector<2048xf32>
    %broadcast_in_dim3A_81 = vector.shape_cast %reduce_sum3A_80 : vector<2048xf32> to vector<2048x1xf32>
    %sqrt3A_82 = math.sqrt %broadcast_in_dim3A_81 : vector<2048x1xf32>
    %mul3A_83 = arith.mulf %sqrt3A, %sqrt3A_82 : vector<2048x1xf32>
    %add3A_84 = arith.constant 1.000000e-07 : f32
    %add3A_85 = vector.broadcast %add3A_84 : f32 to vector<2048x1xf32>
    %add3A_86 = arith.addf %mul3A_83, %add3A_85 : vector<2048x1xf32>
    %div3A = arith.divf %broadcast_in_dim3A, %add3A_86 : vector<2048x1xf32>
    %get3A_87 = arith.constant 0 : index
    %get3A_88 = arith.constant 0 : index
    %get3A_89 = vector.load %arg17[%get3A_87, %get3A_88] : memref<1x1xf32, #tpu.memory_space<vmem>>, vector<1x1xf32>
    %get3A_90 = vector.extract %get3A_89[0, 0] : f32 from vector<1x1xf32>
    %mul3A_91 = vector.broadcast %get3A_90 : f32 to vector<2048x1xf32>
    %mul3A_92 = arith.mulf %div3A, %mul3A_91 : vector<2048x1xf32>
    %get3A_93 = arith.constant 0 : index
    %get3A_94 = arith.constant 0 : index
    %get3A_95 = vector.load %arg18[%get3A_93, %get3A_94] : memref<1x1xf32, #tpu.memory_space<vmem>>, vector<1x1xf32>
    %get3A_96 = vector.extract %get3A_95[0, 0] : f32 from vector<1x1xf32>
    %add3A_97 = vector.broadcast %get3A_96 : f32 to vector<2048x1xf32>
    %add3A_98 = arith.addf %mul3A_92, %add3A_97 : vector<2048x1xf32>
    %neg3A = arith.constant 0.000000e+00 : f32
    %neg3A_99 = vector.broadcast %neg3A : f32 to vector<2048x1xf32>
    %neg3A_100 = arith.subf %neg3A_99, %add3A_98 : vector<2048x1xf32>
    %exp3A = math.exp %neg3A_100 : vector<2048x1xf32>
    %add3A_101 = arith.constant 1.000000e+00 : f32
    %add3A_102 = vector.broadcast %add3A_101 : f32 to vector<2048x1xf32>
    %add3A_103 = arith.addf %add3A_102, %exp3A : vector<2048x1xf32>
    %div3A_104 = arith.constant 1.000000e+00 : f32
    %div3A_105 = vector.broadcast %div3A_104 : f32 to vector<2048x1xf32>
    %div3A_106 = arith.divf %div3A_105, %add3A_103 : vector<2048x1xf32>
    %swap3A = arith.constant 0 : index
    %swap3A_107 = arith.constant 0 : index
    %swap3A_108 = vector.load %arg19[%swap3A, %swap3A_107] : memref<2048x1xf32, #tpu.memory_space<vmem>>, vector<2048x1xf32>
    tpu.vector_store %arg19[%swap3A, %swap3A_107], %div3A_106 {strides = array<i32>} : memref<2048x1xf32, #tpu.memory_space<vmem>>, vector<2048x1xf32>,
    return
  }
  func.func @transform_0(%arg0: i32) -> (i32, i32) {
    %c0_i32 = arith.constant 0 : i32
    %c0_i32_0 = arith.constant 0 : i32
    return %arg0, %c0_i32 : i32, i32
  }
  func.func @transform_1(%arg0: i32) -> (i32, i32) {
    %c0_i32 = arith.constant 0 : i32
    %c0_i32_0 = arith.constant 0 : i32
    return %arg0, %c0_i32 : i32, i32
  }
  func.func @transform_2(%arg0: i32) -> (i32, i32) {
    %c0_i32 = arith.constant 0 : i32
    %c0_i32_0 = arith.constant 0 : i32
    return %arg0, %c0_i32 : i32, i32
  }
  func.func @transform_3(%arg0: i32) -> (i32, i32) {
    %c0_i32 = arith.constant 0 : i32
    %c0_i32_0 = arith.constant 0 : i32
    return %arg0, %c0_i32 : i32, i32
  }
  func.func @transform_4(%arg0: i32) -> (i32, i32) {
    %c0_i32 = arith.constant 0 : i32
    %c0_i32_0 = arith.constant 0 : i32
    return %arg0, %c0_i32 : i32, i32
  }
  func.func @transform_5(%arg0: i32) -> (i32, i32) {
    %c0_i32 = arith.constant 0 : i32
    %c0_i32_0 = arith.constant 0 : i32
    return %arg0, %c0_i32 : i32, i32
  }
  func.func @transform_6(%arg0: i32) -> (i32, i32) {
    %c0_i32 = arith.constant 0 : i32
    %c0_i32_0 = arith.constant 0 : i32
    return %arg0, %c0_i32 : i32, i32
  }
  func.func @transform_7(%arg0: i32) -> (i32, i32) {
    %c0_i32 = arith.constant 0 : i32
    %c0_i32_0 = arith.constant 0 : i32
    return %arg0, %c0_i32 : i32, i32
  }
  func.func @transform_8(%arg0: i32) -> (i32, i32) {
    %c0_i32 = arith.constant 0 : i32
    %c0_i32_0 = arith.constant 0 : i32
    %c0_i32_1 = arith.constant 0 : i32
    return %c0_i32, %c0_i32_0 : i32, i32
  }
  func.func @transform_9(%arg0: i32) -> (i32, i32) {
    %c0_i32 = arith.constant 0 : i32
    %c0_i32_0 = arith.constant 0 : i32
    %c0_i32_1 = arith.constant 0 : i32
    return %c0_i32, %c0_i32_0 : i32, i32
  }
  func.func @transform_10(%arg0: i32) -> (i32, i32) {
    %c0_i32 = arith.constant 0 : i32
    %c0_i32_0 = arith.constant 0 : i32
    %c0_i32_1 = arith.constant 0 : i32
    return %c0_i32, %c0_i32_0 : i32, i32
  }
  func.func @transform_11(%arg0: i32) -> (i32, i32) {
    %c0_i32 = arith.constant 0 : i32
    %c0_i32_0 = arith.constant 0 : i32
    %c0_i32_1 = arith.constant 0 : i32
    return %c0_i32, %c0_i32_0 : i32, i32
  }
  func.func @transform_12(%arg0: i32) -> (i32, i32) {
    %c0_i32 = arith.constant 0 : i32
    %c0_i32_0 = arith.constant 0 : i32
    %c0_i32_1 = arith.constant 0 : i32
    return %c0_i32, %c0_i32_0 : i32, i32
  }
  func.func @transform_13(%arg0: i32) -> (i32, i32) {
    %c0_i32 = arith.constant 0 : i32
    %c0_i32_0 = arith.constant 0 : i32
    %c0_i32_1 = arith.constant 0 : i32
    return %c0_i32, %c0_i32_0 : i32, i32
  }
  func.func @transform_14(%arg0: i32) -> (i32, i32) {
    %c0_i32 = arith.constant 0 : i32
    %c0_i32_0 = arith.constant 0 : i32
    %c0_i32_1 = arith.constant 0 : i32
    return %c0_i32, %c0_i32_0 : i32, i32
  }
  func.func @transform_15(%arg0: i32) -> (i32, i32) {
    %c0_i32 = arith.constant 0 : i32
    %c0_i32_0 = arith.constant 0 : i32
    %c0_i32_1 = arith.constant 0 : i32
    return %c0_i32, %c0_i32_0 : i32, i32
  }
  func.func @transform_16(%arg0: i32) -> (i32, i32) {
    %c0_i32 = arith.constant 0 : i32
    %c0_i32_0 = arith.constant 0 : i32
    %c0_i32_1 = arith.constant 0 : i32
    return %c0_i32, %c0_i32_0 : i32, i32
  }
  func.func @transform_17(%arg0: i32) -> (i32, i32) {
    %c0_i32 = arith.constant 0 : i32
    %c0_i32_0 = arith.constant 0 : i32
    %c0_i32_1 = arith.constant 0 : i32
    return %c0_i32, %c0_i32_0 : i32, i32
  }
  func.func @transform_18(%arg0: i32) -> (i32, i32) {
    %c0_i32 = arith.constant 0 : i32
    %c0_i32_0 = arith.constant 0 : i32
    return %arg0, %c0_i32 : i32, i32
  }
}

</mosaic_0001>

<sc_bundles>
// kernel: kernel.4.cloned.1.call-start
scs
__scs_entry_jumppad:
0x0: {  	(pc) =	sbr.rel $0x88, $3  }
0x1: {  	(tag) =	ssettag $0x0;
	lr =	simm.s32 $0x1  }
0x2: {  	[smem:$0x3F87] =	sst lr;
	_ =	strace $0xD0000000  }
0x3: {  	_ = 	snop  }
0x4: {  	_ = 	snop  }
0x5: {  	_ = 	snop  }
0x6: {  	_ = 	snop  }
0x7: {  	_ = 	snop  }
__scs_overlays_trampoline_lowered:
0x8: {  	[smem:$0x3F96] =	sst s0  }
0x9: {  	[smem:$0x3F97] =	sst s1  }
0xa: {  	[smem:$0x3F98] =	sst s2  }
0xb: {  	[smem:$0x3F99] =	sst s3  }
0xc: {  	[smem:$0x3F9A] =	sst s4  }
0xd: {  	[smem:$0x3F9B] =	sst s5  }
0xe: {  	[smem:$0x3F9C] =	sst s6  }
0xf: {  	[smem:$0x3F9D] =	sst s7  }
0x10: {  	[smem:$0x3F9E] =	sst s8  }
0x11: {  	[smem:$0x3F9F] =	sst s9;
	s0 =	simm.s32 @!p0 $0x0  }
0x12: {  	s1 =	sld [smem:$0x3F85];
	s0 =	simm.s32 @p0 $0x1  }
0x13: {  	[smem:$0x3FA0] =	sst s0;
	s0 =	simm.s32 @!p1 $0x0  }
0x14: {  	s2 =	sld [smem:$0x3F84];
	s0 =	simm.s32 @p1 $0x1  }
0x15: {  	[smem:$0x3FA1] =	sst s0;
	s0 =	simm.s32 @!p2 $0x0  }
0x16: {  	s3 =	sld [smem:$0x3FDB];
	s0 =	simm.s32 @p2 $0x1  }
0x17: {  	s4 =	simm.s32 $0x1BF5;
	[smem:$0x3FA3] =	sst s0  }
0x18: {  	s0 =	sld [smem:$0x3F86];
	_ =	swait.ge [sflag:s4], $0x0  }
0x19: {  	s7 =	sld [smem:$0x3F87]  }
0x1a: {  	s8 =	sadd.s32 $0xFFFFE003, lr  }
0x1b: {  	s9 =	sadd.s32 $0xFFFFFEF7, lr;
	s5 =	simm.s32 $0xFFFFFFFF;
	p2 =	slt.u32 s8, $0xFFFFF086  }
0x1c: {  	p1 =	slt.u32 s9, $0xF7A;
	s5 =	simm.s32 @!p2 $0x0  }
0x1d: {  	s5 =	simm.s32 @p1 $0x1;
	p0 =	seq.s32 s7, s2  }
0x1e: {  	s7 =	smul.u32 @!p0 $0xF7A, s2;
	p2 =	seq.s32 @!p0 s5, $0x0  }
0x1f: {  	s9 =	smul.u32 $0xF7A, s1;
	s8 =	simm.s32 @!p0 $0x1BF5;
	p2 =	por !p2, p0  }
0x20: {  	[sflag:s8] =	ssyncset.s32 @!p0 $0xFFFFF086;
	s6 =	sadd.s32 @!p0 s3, s7;
	s7 =	simm.s32 @!p0 $0x108  }
0x21: {  	s3 =	sadd.s32 s3, s9;
	s6 =	sadd.s32 @!p0 $0x88, s6;
	s7 =	simm.s32 @p2 $0x1082  }
0x22: {  	[simem:s7], [sflag:s8] =	dma.local @!p0 [hbm:s6], $0xF7A  }
0x23: {  	s9 =	sor.u32 $0xD0000000, s2;
	s6 =	simm.s32 $0x108;
	_ =	swait.ge @!p0 [sflag:s8], $0x0  }
0x24: {  	s3 =	sadd.s32 $0x88, s3;
	s6 =	simm.s32 @!p1 $0x1082;
	[sflag:s4] =	ssyncset.s32 $0xFFFFF086  }
0x25: {  	[simem:s6], [sflag:s4] =	dma.local [hbm:s3], $0xF7A  }
0x26: {  	[smem:$0x3F87] =	sst s1;
	(tag) =	ssettag s2;
	_ =	strace s9  }
0x27: {  	s1 =	sld [smem:$0x3F97]  }
0x28: {  	s2 =	sld [smem:$0x3F98]  }
0x29: {  	s4 =	sld [smem:$0x3F9A]  }
0x2a: {  	p0 =	seq.s32 s5, $0x0;
	s5 =	sld [smem:$0x3F9B]  }
0x2b: {  	s6 =	sld [smem:$0x3F9C]  }
0x2c: {  	s7 =	sld [smem:$0x3F9D]  }
0x2d: {  	s3 =	simm.s32 $0x108;
	s8 =	sld [smem:$0x3F9E]  }
0x2e: {  	s3 =	simm.s32 @!p0 $0x1082;
	s9 =	sld [smem:$0x3F9F]  }
0x2f: {  	lr =	sadd.s32 s0, s3;
	s0 =	sld [smem:$0x3F96]  }
0x30: {  	s3 =	sld [smem:$0x3F99]  }
0x31: {  	[smem:$0x3FA2] =	sst s10  }
0x32: {  	s10 =	sld [smem:$0x3FA0];
	_ =	sdelay $0x3  }
0x33: {  	p0 =	seq.s32 s10, $0x1;
	s10 =	sld [smem:$0x3FA2];
	_ =	sdelay $0x3  }
0x34: {  	[smem:$0x3FA2] =	sst s10  }
0x35: {  	s10 =	sld [smem:$0x3FA1];
	_ =	sdelay $0x3  }
0x36: {  	p1 =	seq.s32 s10, $0x1;
	s10 =	sld [smem:$0x3FA2];
	_ =	sdelay $0x3  }
0x37: {  	[smem:$0x3FA2] =	sst s10  }
0x38: {  	s10 =	sld [smem:$0x3FA3]  }
0x39: {  	_ = 	snop;
	(pc) =	sbr.ind lr, $3  }
0x3a: {  	_ = 	snop  }
0x3b: {  	_ = 	snop  }
0x3c: {  	p2 =	seq.s32 s10, $0x1;
	s10 =	sld [smem:$0x3FA2]  }
0x3d: {  	_ =	shalt  }
0x3e: {  	_ =	shalt  }
0x3f: {  	_ =	shalt  }
0x40: {  	_ =	shalt  }
0x41: {  	_ =	shalt  }
0x42: {  	_ =	shalt  }
0x43: {  	_ =	shalt  }
0x44: {  	_ =	shalt  }
0x45: {  	_ =	shalt  }
0x46: {  	_ =	shalt  }
0x47: {  	_ =	shalt  }
0x48: {  	_ =	shalt  }
0x49: {  	_ =	shalt  }
0x4a: {  	_ =	shalt  }
0x4b: {  	_ =	shalt  }
0x4c: {  	_ =	shalt  }
0x4d: {  	_ =	shalt  }
0x4e: {  	_ =	shalt  }
0x4f: {  	_ =	shalt  }
0x50: {  	_ =	shalt  }
0x51: {  	_ =	shalt  }
0x52: {  	_ =	shalt  }
0x53: {  	_ =	shalt  }
0x54: {  	_ =	shalt  }
0x55: {  	_ =	shalt  }
0x56: {  	_ =	shalt  }
0x57: {  	_ =	shalt  }
0x58: {  	_ =	shalt  }
0x59: {  	_ =	shalt  }
0x5a: {  	_ =	shalt  }
0x5b: {  	_ =	shalt  }
0x5c: {  	_ =	shalt  }
0x5d: {  	_ =	shalt  }
0x5e: {  	_ =	shalt  }
0x5f: {  	_ =	shalt  }
0x60: {  	_ =	shalt  }
0x61: {  	_ =	shalt  }
0x62: {  	_ =	shalt  }
0x63: {  	_ =	shalt  }
0x64: {  	_ =	shalt  }
0x65: {  	_ =	shalt  }
0x66: {  	_ =	shalt  }
0x67: {  	_ =	shalt  }
0x68: {  	_ =	shalt  }
0x69: {  	_ =	shalt  }
0x6a: {  	_ =	shalt  }
0x6b: {  	_ =	shalt  }
0x6c: {  	_ =	shalt  }
0x6d: {  	_ =	shalt  }
0x6e: {  	_ =	shalt  }
0x6f: {  	_ =	shalt  }
0x70: {  	_ =	shalt  }
0x71: {  	_ =	shalt  }
0x72: {  	_ =	shalt  }
0x73: {  	_ =	shalt  }
0x74: {  	_ =	shalt  }
0x75: {  	_ =	shalt  }
0x76: {  	_ =	shalt  }
0x77: {  	_ =	shalt  }
0x78: {  	_ =	shalt  }
0x79: {  	_ =	shalt  }
0x7a: {  	_ =	shalt  }
0x7b: {  	_ =	shalt  }
0x7c: {  	_ =	shalt  }
0x7d: {  	_ =	shalt  }
0x7e: {  	_ =	shalt  }
0x7f: {  	_ =	shalt  }
0x80: {  	_ =	shalt  }
0x81: {  	_ =	shalt  }
0x82: {  	_ =	shalt  }
0x83: {  	_ =	shalt  }
0x84: {  	_ =	shalt  }
0x85: {  	_ =	shalt  }
0x86: {  	_ =	shalt  }
0x87: {  	_ =	shalt  }
.Lfunc_end0:
.L_simem_size_0:
called_computation_lowered:
.L_overlay_start_0:
0x88: {  	s2 =	sld [smem:$0x3FD9]  }
0x89: {  	s3 =	sld [smem:$0x3FFE];
	_ =	sdelay $0x1  }
0x8a: {  	s1 =	srdreg.scid  }
0x8b: {  	s0 =	sand.u32 $0x1, s1  }
0x8c: {  	s17 =	sshll.u32 s0, $0xA;
	s2 =	sadd.s32 s3, s2  }
0x8d: {  	s2 =	sadd.s32 s2, s17  }
0x8e: {  	[smem:$0x3FAE] =	sst s2  }
0x8f: {  	_ = 	snop  }
0x90: {  	s2 =	sld [smem:$0x3FC9]  }
0x91: {  	s18 =	sld [smem:$0x3FC8]  }
0x92: {  	s4 =	sld [smem:$0x3FC7]  }
0x93: {  	s5 =	sld [smem:$0x3FC6]  }
0x94: {  	s6 =	sld [smem:$0x3FC5]  }
0x95: {  	s7 =	sld [smem:$0x3FC4]  }
0x96: {  	s8 =	sld [smem:$0x3FC3]  }
0x97: {  	s9 =	sld [smem:$0x3FC2]  }
0x98: {  	s10 =	sld [smem:$0x3FD0];
	(tm) =	ssettm $0x1  }
0x99: {  	s11 =	sld [smem:$0x3FFB];
	_ =	sdelay $0x3  }
0x9a: {  	_ =	strace s11  }
0x9b: {  	s11 =	sld [smem:$0x3FFC];
	_ =	sdelay $0x3  }
0x9c: {  	_ =	strace s11  }
0x9d: {  	s11 =	sld [smem:$0x3FFD];
	_ =	sdelay $0x3  }
0x9e: {  	_ =	strace s11  }
0x9f: {  	_ =	strace $0x8FFFFFFF  }
0xa0: {  	s19 =	sld [smem:$0x3FDB];
	_ =	sdelay $0x1  }
0xa1: {  	s12 =	simm.s32 $_scs_section_size  }
0xa2: {  	s13 =	simm.s32 $_size__tile_overlayer_lowered;
	s14 =	simm.s32 $_tile_overlayer_lowered  }
0xa3: {  	s22 =	simm.s32 $0x1BFF;
	s21 =	sshll.u32 s14, $0x1;
	s11 =	sadd.s32 s12, s19  }
0xa4: {  	s15 =	simm.s32 $0x0;
	s20 =	sshll.u32 s13, $0x1;
	s13 =	sadd.s32 s21, s11  }
0xa5: {  	[timem:s15], [sflag:s22] =	dma.local [hbm:s13], s20  }
0xa6: {  	_ =	swait.ge [sflag:s22], s20  }
0xa7: {  	s12 =	ssub.s32 $0x0, s20;
	[sflag:s22] =	ssyncset.done $0x0  }
0xa8: {  	[sflag:s22] =	ssyncadd.s32 s12;
	_ =	sdelay $0x1  }
0xa9: {  	s23 =	simm.s32 $0x1B8B  }
0xaa: {  	_ =	swait.ge [sflag:s23], $0x1  }
0xab: {  	[sflag:s23] =	ssyncset.done $0x0  }
0xac: {  	s25 =	simm.s32 $0x1B8E;
	s24 =	sld [smem:$0x3FFE];
	[sflag:s23] =	ssyncadd.s32 $0xFFFFFFFF  }
0xad: {  	s26 =	simm.s32 $execute0_lowered;
	[smem:$0x3FD2] =	sst s25  }
0xae: {  	s13 =	sshll.u32 s26, $0x1;
	_ =	strace $0x80000046;
	[dreg:$0x1] =	wrdreg $0xFFFFFFFF  }
0xaf: {  	s28 =	simm.s32 $_size_execute0_lowered;
	s11 =	sadd.s32 s11, s13;
	[dreg:$0x0] =	wrdreg $0x0  }
0xb0: {  	s13 =	sshll.u32 s28, $0x1;
	[dreg:$0x2] =	wrdreg s11  }
0xb1: {  	[dreg:$0x3] =	wrdreg s13  }
0xb2: {  	[dreg:$0x4] =	wrdreg $0xC0  }
0xb3: {  	_ =	task [dreg:s15], $0x5FFFF  }
0xb4: {  	[dreg:$0x1] =	wrdreg $0xFFFFFFFF  }
0xb5: {  	[dreg:$0x0] =	wrdreg $0x60  }
0xb6: {  	[dreg:$0x2] =	wrdreg s24  }
0xb7: {  	[dreg:$0x3] =	wrdreg s10  }
0xb8: {  	[dreg:$0x4] =	wrdreg s2  }
0xb9: {  	[dreg:$0x5] =	wrdreg s18  }
0xba: {  	[dreg:$0x6] =	wrdreg s4  }
0xbb: {  	[dreg:$0x7] =	wrdreg s5  }
0xbc: {  	[dreg:$0x8] =	wrdreg s6  }
0xbd: {  	[dreg:$0x9] =	wrdreg s7  }
0xbe: {  	[dreg:$0xa] =	wrdreg s8  }
0xbf: {  	[dreg:$0xb] =	wrdreg s9  }
0xc0: {  	[dreg:$0xc] =	wrdreg $0x9  }
0xc1: {  	_ =	task.clear_ibuf [dreg:s15], $0xDFFFF;
	_ =	strace $0x90000046  }
0xc2: {  	s29 =	simm.s32 $0x9;
	_ =	strace $0x80000048  }
0xc3: {  	_ =	swait.ge [sflag:s29], $0x1  }
0xc4: {  	[sflag:s29] =	ssyncadd.s32 $0xFFFFFFFF  }
0xc5: {  	_ =	strace $0x90000048  }
0xc6: {  	_ =	sfence  }
0xc7: {  	s30 =	sld [smem:$0x0];
	_ =	sdelay $0x2  }
0xc8: {  	s31 =	sshll.u32 s1, $0xD;
	s1 =	sshrl.u32 s1, $0x2  }
0xc9: {  	s3 =	sand.u32 $0x4000, s31;
	s1 =	sadd.s32 s1, s30  }
0xca: {  	s0 =	sor.u32 s3, s0;
	s1 =	sshll.u32 s1, $0x11  }
0xcb: {  	s0 =	sor.u32 s1, s0  }
0xcc: {  	s0 =	sadd.s32 $0x8F2B, s0  }
0xcd: {  	[sflag:s0] =	ssyncadd.remote.s32 $0x1  }
0xce: {  	_ =	sfence.sel $0xFFFF  }
0xcf: {  	[dreg:$0x0] =	wrdreg $0xFFFFFFFF;
	(pc) =	sbr.abs _section_cstart, $3  }
0xd0: {  	[dreg:$0x1] =	wrdreg $0xFFFFFFFF  }
0xd1: {  	_ =	task.clear_ibuf [dreg:s15], $0x2FFFF;
	_ =	strace $0x9FFFFFFF  }
0xd2: {  	(tm) =	ssettm $0x7FFFFFFF  }
0xd3: {  	_ =	shalt  }
tec
execute0_lowered:
.L_overlay_start_1:
0x0: {  	(tag) =	ssettag $0x1  }
0x1: {  	s0 =	rddreg [dreg:$0x0]  }
0x2: {  	s29 =	rddreg [dreg:$0x1]  }
0x3: {  	s1 =	rddreg [dreg:$0x2]  }
0x4: {  	s4 =	rddreg [dreg:$0x3]  }
0x5: {  	s5 =	rddreg [dreg:$0x4]  }
0x6: {  	s6 =	rddreg [dreg:$0x5]  }
0x7: {  	s8 =	rddreg [dreg:$0x6]  }
0x8: {  	s9 =	rddreg [dreg:$0x7]  }
0x9: {  	s10 =	rddreg [dreg:$0x8]  }
0xa: {  	s12 =	rddreg [dreg:$0x9]  }
0xb: {  	s2 =	simm.s32 $0x0;
	s3 =	srdreg.scid;
	s7 =	stileid.u32  }
0xc: {  	p0 =	por $0x0, $0x0;
	[smem:$0x7FF] =	sst s2;
	s31 =	sadd.s32 $0x1ECA00, s0  }
0xd: {  	s11 =	sand.u32 $0x1, s3;
	s20 =	sshll.u32 s7, $0x1;
	s26 =	sadd.s32 $0x10200, s0  }
0xe: {  	s23 =	sadd.s32 $0xF000, s0;
	s17 =	sadd.s32 $0xE000, s0;
	s7 =	sadd.s32 $0x4200, s0  }
0xf: {  	_ =	strace $0x80000047;
	s3 =	sor.u32 s11, s20;
	s20 =	sadd.s32 $0x18AE00, s0  }
0x10: {  	s25 =	ssub.s32 $0x2, s11;
	s21 =	sshll.u32 s3, $0xB;
	s13 =	sshll.u32 s3, $0x6  }
0x11: {  	s3 =	sadd.s32 $0x10000, s0;
	s11 =	sshrl.u32 s25, $0x1;
	s14 =	sadd.s32 s21, s0  }
0x12: {  	s1 =	sadd.s32 s1, s13;
	s24 =	sadd.s32 s4, s13;
	s15 =	sadd.s32 s5, s13  }
0x13: {  	s28 =	sadd.s32 s6, s13;
	s21 =	sadd.s32 s9, s13;
	s18 =	sadd.s32 s10, s13  }
0x14: {  	s10 =	sadd.s32 s12, s13;
	s9 =	simm.s32 $0x80;
	s6 =	simm.s32 $0x200  }
0x15: {  	s12 =	simm.s32 $0x1200;
	[dreg:$0xb] =	wrdreg s1;
	s22 =	sadd.s32 $0x80400, s14  }
0x16: {  	[dreg:$0xd] =	wrdreg s24;
	s4 =	sadd.s32 $0x70400, s14;
	s1 =	ssub.s32 s25, s11  }
0x17: {  	[dreg:$0xf] =	wrdreg s15;
	s30 =	sadd.s32 $0x60400, s14;
	s16 =	smax.u32 s1, $0x1  }
0x18: {  	s25 =	sadd.s32 $0x50400, s14;
	s24 =	sadd.s32 s8, s13;
	p1 =	sne.s32 s16, $0x1  }
.Ltmp0:
0x19: {  	s19 =	sadd.s32 $0x30400, s14;
	s11 =	sadd.s32 $0x20400, s14;
	(pc) =	sbr.rel @!p1 .LBB2_3-.Ltmp0, $4  }
0x1a: {  	s5 =	sadd.s32 $0x10400, s14;
	s13 =	simm.s32 $0x100;
	[dreg:$0xc] =	wrdreg s22  }
0x1b: {  	s15 =	simm.s32 $0x180;
	s8 =	simm.s32 $0x1;
	[dreg:$0xe] =	wrdreg s4  }
0x1c: {  	s22 =	sadd.s32 $0x40400, s14;
	s4 =	simm.s32 $0x2;
	s14 =	simm.s32 $0x2200  }
0x1d: {  	s1 =	rddreg [dreg:$0xb];
	s0 =	sadd.s32 $0xFFFFFFFF, s16;
	s16 =	simm.s32 $0x3200  }
0x1e: {  	[tilespmem:s2], [sflag:$0x2] =	stream.linear.gather [hbm4b:s1+s2], $0x200, $0x38;
	[tilespmem:$0x4200] =	vst v63  }
0x1f: {  	_ =	swait.ge [sflag:s4], $0x200  }
0x20: {  	[sflag:s4] =	ssyncset.done $0x0  }
0x21: {  	[sflag:s4] =	ssyncadd.s32 $0xFFFFFE00  }
0x22: {  	[tilespmem:s6], [sflag:$0x1] =	stream.indirect.gather [hbm4b:s31+s9], $0x20, s2, s9, $0xb8;
	[tilespmem:$0x4200] =	vst v63  }
0x23: {  	_ = 	snop  }
0x24: {  	[tilespmem:s12], [sflag:$0x1] =	stream.indirect.gather [hbm4b:s31+s9], $0x20, s9, s9, $0xb8;
	[tilespmem:$0x4200] =	vst v63  }
0x25: {  	_ = 	snop  }
0x26: {  	[tilespmem:s14], [sflag:$0x1] =	stream.indirect.gather [hbm4b:s31+s9], $0x20, s13, s9, $0xb8;
	[tilespmem:$0x4200] =	vst v63  }
0x27: {  	_ = 	snop  }
0x28: {  	[tilespmem:s16], [sflag:$0x1] =	stream.indirect.gather [hbm4b:s31+s9], $0x20, s15, s9, $0xb8;
	[tilespmem:$0x4200] =	vst v63  }
0x29: {  	_ =	swait.ge [sflag:s8], $0x1000  }
0x2a: {  	[sflag:s8] =	ssyncset.done $0x0  }
0x2b: {  	[sflag:s8] =	ssyncadd.s32 $0xFFFFF000  }
0x2c: {  	_ =	swait.ge [sflag:s8], $0x1000  }
0x2d: {  	[sflag:s8] =	ssyncset.done $0x0  }
0x2e: {  	[sflag:s8] =	ssyncadd.s32 $0xFFFFF000  }
0x2f: {  	_ =	swait.ge [sflag:s8], $0x1000  }
0x30: {  	[sflag:s8] =	ssyncset.done $0x0  }
0x31: {  	[sflag:s8] =	ssyncadd.s32 $0xFFFFF000  }
0x32: {  	_ =	swait.ge [sflag:s8], $0x1000  }
0x33: {  	[sflag:s8] =	ssyncset.done $0x0  }
0x34: {  	s1 =	rddreg [dreg:$0xc];
	[sflag:s8] =	ssyncadd.s32 $0xFFFFF000  }
0x35: {  	[hbm4b:s1+s2] =	stream.linear.scatter [tilespmem:s6], [sflag:$0x2], $0x4000, $0x38;
	[tilespmem:$0x4200] =	vst v63  }
0x36: {  	_ =	swait.ge [sflag:s4], $0x4000  }
0x37: {  	[sflag:s4] =	ssyncset.done $0x0  }
0x38: {  	s1 =	rddreg [dreg:$0xd];
	[sflag:s4] =	ssyncadd.s32 $0xFFFFC000  }
0x39: {  	[tilespmem:s2], [sflag:$0x2] =	stream.linear.gather [hbm4b:s1+s2], $0x200, $0x38;
	[tilespmem:$0x4200] =	vst v63  }
0x3a: {  	_ =	swait.ge [sflag:s4], $0x200  }
0x3b: {  	[sflag:s4] =	ssyncset.done $0x0  }
0x3c: {  	[sflag:s4] =	ssyncadd.s32 $0xFFFFFE00  }
0x3d: {  	[tilespmem:s6], [sflag:$0x1] =	stream.indirect.gather [hbm4b:s29+s9], $0x20, s2, s9, $0xb8;
	[tilespmem:$0x4200] =	vst v63  }
0x3e: {  	_ = 	snop  }
0x3f: {  	[tilespmem:s12], [sflag:$0x1] =	stream.indirect.gather [hbm4b:s29+s9], $0x20, s9, s9, $0xb8;
	[tilespmem:$0x4200] =	vst v63  }
0x40: {  	_ = 	snop  }
0x41: {  	[tilespmem:s14], [sflag:$0x1] =	stream.indirect.gather [hbm4b:s29+s9], $0x20, s13, s9, $0xb8;
	[tilespmem:$0x4200] =	vst v63  }
0x42: {  	_ = 	snop  }
0x43: {  	[tilespmem:s16], [sflag:$0x1] =	stream.indirect.gather [hbm4b:s29+s9], $0x20, s15, s9, $0xb8;
	[tilespmem:$0x4200] =	vst v63  }
0x44: {  	_ =	swait.ge [sflag:s8], $0x1000  }
0x45: {  	[sflag:s8] =	ssyncset.done $0x0  }
0x46: {  	[sflag:s8] =	ssyncadd.s32 $0xFFFFF000  }
0x47: {  	_ =	swait.ge [sflag:s8], $0x1000  }
0x48: {  	[sflag:s8] =	ssyncset.done $0x0  }
0x49: {  	[sflag:s8] =	ssyncadd.s32 $0xFFFFF000  }
0x4a: {  	_ =	swait.ge [sflag:s8], $0x1000  }
0x4b: {  	[sflag:s8] =	ssyncset.done $0x0  }
0x4c: {  	[sflag:s8] =	ssyncadd.s32 $0xFFFFF000  }
0x4d: {  	_ =	swait.ge [sflag:s8], $0x1000  }
0x4e: {  	[sflag:s8] =	ssyncset.done $0x0  }
0x4f: {  	s1 =	rddreg [dreg:$0xe];
	[sflag:s8] =	ssyncadd.s32 $0xFFFFF000  }
0x50: {  	[hbm4b:s1+s2] =	stream.linear.scatter [tilespmem:s6], [sflag:$0x2], $0x4000, $0x38;
	[tilespmem:$0x4200] =	vst v63  }
0x51: {  	_ =	swait.ge [sflag:s4], $0x4000  }
0x52: {  	[sflag:s4] =	ssyncset.done $0x0  }
0x53: {  	s1 =	rddreg [dreg:$0xf];
	[sflag:s4] =	ssyncadd.s32 $0xFFFFC000  }
0x54: {  	[tilespmem:s2], [sflag:$0x2] =	stream.linear.gather [hbm4b:s1+s2], $0x200, $0x38;
	[tilespmem:$0x4200] =	vst v63  }
0x55: {  	_ =	swait.ge [sflag:s4], $0x200  }
0x56: {  	[sflag:s4] =	ssyncset.done $0x0  }
0x57: {  	[sflag:s4] =	ssyncadd.s32 $0xFFFFFE00  }
0x58: {  	[tilespmem:s6], [sflag:$0x1] =	stream.indirect.gather [hbm4b:s26+s9], $0x20, s2, s9, $0xb8;
	[tilespmem:$0x4200] =	vst v63  }
0x59: {  	_ = 	snop  }
0x5a: {  	[tilespmem:s12], [sflag:$0x1] =	stream.indirect.gather [hbm4b:s26+s9], $0x20, s9, s9, $0xb8;
	[tilespmem:$0x4200] =	vst v63  }
0x5b: {  	_ = 	snop  }
0x5c: {  	[tilespmem:s14], [sflag:$0x1] =	stream.indirect.gather [hbm4b:s26+s9], $0x20, s13, s9, $0xb8;
	[tilespmem:$0x4200] =	vst v63  }
0x5d: {  	_ = 	snop  }
0x5e: {  	[tilespmem:s16], [sflag:$0x1] =	stream.indirect.gather [hbm4b:s26+s9], $0x20, s15, s9, $0xb8;
	[tilespmem:$0x4200] =	vst v63  }
0x5f: {  	_ =	swait.ge [sflag:s8], $0x1000  }
0x60: {  	[sflag:s8] =	ssyncset.done $0x0  }
0x61: {  	[sflag:s8] =	ssyncadd.s32 $0xFFFFF000  }
0x62: {  	_ =	swait.ge [sflag:s8], $0x1000  }
0x63: {  	[sflag:s8] =	ssyncset.done $0x0  }
0x64: {  	[sflag:s8] =	ssyncadd.s32 $0xFFFFF000  }
0x65: {  	_ =	swait.ge [sflag:s8], $0x1000  }
0x66: {  	[sflag:s8] =	ssyncset.done $0x0  }
0x67: {  	[sflag:s8] =	ssyncadd.s32 $0xFFFFF000  }
0x68: {  	_ =	swait.ge [sflag:s8], $0x1000  }
0x69: {  	[sflag:s8] =	ssyncset.done $0x0  }
0x6a: {  	[sflag:s8] =	ssyncadd.s32 $0xFFFFF000  }
0x6b: {  	[hbm4b:s30+s2] =	stream.linear.scatter [tilespmem:s6], [sflag:$0x2], $0x4000, $0x38;
	[tilespmem:$0x4200] =	vst v63  }
0x6c: {  	_ =	swait.ge [sflag:s4], $0x4000  }
0x6d: {  	[sflag:s4] =	ssyncset.done $0x0  }
0x6e: {  	[sflag:s4] =	ssyncadd.s32 $0xFFFFC000  }
0x6f: {  	[tilespmem:s2], [sflag:$0x2] =	stream.linear.gather [hbm4b:s28+s2], $0x200, $0x38;
	[tilespmem:$0x4200] =	vst v63  }
0x70: {  	_ =	swait.ge [sflag:s4], $0x200  }
0x71: {  	[sflag:s4] =	ssyncset.done $0x0  }
0x72: {  	[sflag:s4] =	ssyncadd.s32 $0xFFFFFE00  }
0x73: {  	[tilespmem:s6], [sflag:$0x1] =	stream.indirect.gather [hbm4b:s23+s9], $0x20, s2, s9, $0xb8;
	[tilespmem:$0x4200] =	vst v63  }
0x74: {  	_ = 	snop  }
0x75: {  	[tilespmem:s12], [sflag:$0x1] =	stream.indirect.gather [hbm4b:s23+s9], $0x20, s9, s9, $0xb8;
	[tilespmem:$0x4200] =	vst v63  }
0x76: {  	_ = 	snop  }
0x77: {  	[tilespmem:s14], [sflag:$0x1] =	stream.indirect.gather [hbm4b:s23+s9], $0x20, s13, s9, $0xb8;
	[tilespmem:$0x4200] =	vst v63  }
0x78: {  	_ = 	snop  }
0x79: {  	[tilespmem:s16], [sflag:$0x1] =	stream.indirect.gather [hbm4b:s23+s9], $0x20, s15, s9, $0xb8;
	[tilespmem:$0x4200] =	vst v63  }
0x7a: {  	_ =	swait.ge [sflag:s8], $0x1000  }
0x7b: {  	[sflag:s8] =	ssyncset.done $0x0  }
0x7c: {  	[sflag:s8] =	ssyncadd.s32 $0xFFFFF000  }
0x7d: {  	_ =	swait.ge [sflag:s8], $0x1000  }
0x7e: {  	[sflag:s8] =	ssyncset.done $0x0  }
0x7f: {  	[sflag:s8] =	ssyncadd.s32 $0xFFFFF000  }
0x80: {  	_ =	swait.ge [sflag:s8], $0x1000  }
0x81: {  	[sflag:s8] =	ssyncset.done $0x0  }
0x82: {  	[sflag:s8] =	ssyncadd.s32 $0xFFFFF000  }
0x83: {  	_ =	swait.ge [sflag:s8], $0x1000  }
0x84: {  	[sflag:s8] =	ssyncset.done $0x0  }
0x85: {  	[sflag:s8] =	ssyncadd.s32 $0xFFFFF000  }
0x86: {  	[hbm4b:s25+s2] =	stream.linear.scatter [tilespmem:s6], [sflag:$0x2], $0x4000, $0x38;
	[tilespmem:$0x4200] =	vst v63  }
0x87: {  	_ =	swait.ge [sflag:s4], $0x4000  }
0x88: {  	[sflag:s4] =	ssyncset.done $0x0  }
0x89: {  	[sflag:s4] =	ssyncadd.s32 $0xFFFFC000  }
0x8a: {  	[tilespmem:s2], [sflag:$0x2] =	stream.linear.gather [hbm4b:s24+s2], $0x200, $0x38;
	[tilespmem:$0x4200] =	vst v63  }
0x8b: {  	_ =	swait.ge [sflag:s4], $0x200  }
0x8c: {  	[sflag:s4] =	ssyncset.done $0x0  }
0x8d: {  	[sflag:s4] =	ssyncadd.s32 $0xFFFFFE00  }
0x8e: {  	[tilespmem:s6], [sflag:$0x1] =	stream.indirect.gather [hbm4b:s20+s9], $0x20, s2, s9, $0xb8;
	[tilespmem:$0x4200] =	vst v63  }
0x8f: {  	_ = 	snop  }
0x90: {  	[tilespmem:s12], [sflag:$0x1] =	stream.indirect.gather [hbm4b:s20+s9], $0x20, s9, s9, $0xb8;
	[tilespmem:$0x4200] =	vst v63  }
0x91: {  	_ = 	snop  }
0x92: {  	[tilespmem:s14], [sflag:$0x1] =	stream.indirect.gather [hbm4b:s20+s9], $0x20, s13, s9, $0xb8;
	[tilespmem:$0x4200] =	vst v63  }
0x93: {  	_ = 	snop  }
0x94: {  	[tilespmem:s16], [sflag:$0x1] =	stream.indirect.gather [hbm4b:s20+s9], $0x20, s15, s9, $0xb8;
	[tilespmem:$0x4200] =	vst v63  }
0x95: {  	_ =	swait.ge [sflag:s8], $0x1000  }
0x96: {  	[sflag:s8] =	ssyncset.done $0x0  }
0x97: {  	[sflag:s8] =	ssyncadd.s32 $0xFFFFF000  }
0x98: {  	_ =	swait.ge [sflag:s8], $0x1000  }
0x99: {  	[sflag:s8] =	ssyncset.done $0x0  }
0x9a: {  	[sflag:s8] =	ssyncadd.s32 $0xFFFFF000  }
0x9b: {  	_ =	swait.ge [sflag:s8], $0x1000  }
0x9c: {  	[sflag:s8] =	ssyncset.done $0x0  }
0x9d: {  	[sflag:s8] =	ssyncadd.s32 $0xFFFFF000  }
0x9e: {  	_ =	swait.ge [sflag:s8], $0x1000  }
0x9f: {  	[sflag:s8] =	ssyncset.done $0x0  }
0xa0: {  	[sflag:s8] =	ssyncadd.s32 $0xFFFFF000  }
0xa1: {  	[hbm4b:s22+s2] =	stream.linear.scatter [tilespmem:s6], [sflag:$0x2], $0x4000, $0x38;
	[tilespmem:$0x4200] =	vst v63  }
0xa2: {  	_ =	swait.ge [sflag:s4], $0x4000  }
0xa3: {  	[sflag:s4] =	ssyncset.done $0x0  }
0xa4: {  	[sflag:s4] =	ssyncadd.s32 $0xFFFFC000  }
0xa5: {  	[tilespmem:s2], [sflag:$0x2] =	stream.linear.gather [hbm4b:s21+s2], $0x200, $0x38;
	[tilespmem:$0x4200] =	vst v63  }
0xa6: {  	_ =	swait.ge [sflag:s4], $0x200  }
0xa7: {  	[sflag:s4] =	ssyncset.done $0x0  }
0xa8: {  	[sflag:s4] =	ssyncadd.s32 $0xFFFFFE00  }
0xa9: {  	[tilespmem:s6], [sflag:$0x1] =	stream.indirect.gather [hbm4b:s17+s9], $0x20, s2, s9, $0xb8;
	[tilespmem:$0x4200] =	vst v63  }
0xaa: {  	_ = 	snop  }
0xab: {  	[tilespmem:s12], [sflag:$0x1] =	stream.indirect.gather [hbm4b:s17+s9], $0x20, s9, s9, $0xb8;
	[tilespmem:$0x4200] =	vst v63  }
0xac: {  	_ = 	snop  }
0xad: {  	[tilespmem:s14], [sflag:$0x1] =	stream.indirect.gather [hbm4b:s17+s9], $0x20, s13, s9, $0xb8;
	[tilespmem:$0x4200] =	vst v63  }
0xae: {  	_ = 	snop  }
0xaf: {  	[tilespmem:s16], [sflag:$0x1] =	stream.indirect.gather [hbm4b:s17+s9], $0x20, s15, s9, $0xb8;
	[tilespmem:$0x4200] =	vst v63  }
0xb0: {  	_ =	swait.ge [sflag:s8], $0x1000  }
0xb1: {  	[sflag:s8] =	ssyncset.done $0x0  }
0xb2: {  	[sflag:s8] =	ssyncadd.s32 $0xFFFFF000  }
0xb3: {  	_ =	swait.ge [sflag:s8], $0x1000  }
0xb4: {  	[sflag:s8] =	ssyncset.done $0x0  }
0xb5: {  	[sflag:s8] =	ssyncadd.s32 $0xFFFFF000  }
0xb6: {  	_ =	swait.ge [sflag:s8], $0x1000  }
0xb7: {  	[sflag:s8] =	ssyncset.done $0x0  }
0xb8: {  	[sflag:s8] =	ssyncadd.s32 $0xFFFFF000  }
0xb9: {  	_ =	swait.ge [sflag:s8], $0x1000  }
0xba: {  	[sflag:s8] =	ssyncset.done $0x0  }
0xbb: {  	[sflag:s8] =	ssyncadd.s32 $0xFFFFF000  }
0xbc: {  	[hbm4b:s19+s2] =	stream.linear.scatter [tilespmem:s6], [sflag:$0x2], $0x4000, $0x38;
	[tilespmem:$0x4200] =	vst v63  }
0xbd: {  	_ =	swait.ge [sflag:s4], $0x4000  }
0xbe: {  	[sflag:s4] =	ssyncset.done $0x0  }
0xbf: {  	[sflag:s4] =	ssyncadd.s32 $0xFFFFC000  }
0xc0: {  	[tilespmem:s2], [sflag:$0x2] =	stream.linear.gather [hbm4b:s18+s2], $0x200, $0x38;
	[tilespmem:$0x4200] =	vst v63  }
0xc1: {  	_ =	swait.ge [sflag:s4], $0x200  }
0xc2: {  	[sflag:s4] =	ssyncset.done $0x0  }
0xc3: {  	[sflag:s4] =	ssyncadd.s32 $0xFFFFFE00  }
0xc4: {  	[tilespmem:s6], [sflag:$0x1] =	stream.indirect.gather [hbm4b:s7+s9], $0x20, s2, s9, $0xb8;
	[tilespmem:$0x4200] =	vst v63  }
0xc5: {  	_ = 	snop  }
0xc6: {  	[tilespmem:s12], [sflag:$0x1] =	stream.indirect.gather [hbm4b:s7+s9], $0x20, s9, s9, $0xb8;
	[tilespmem:$0x4200] =	vst v63  }
0xc7: {  	_ = 	snop  }
0xc8: {  	[tilespmem:s14], [sflag:$0x1] =	stream.indirect.gather [hbm4b:s7+s9], $0x20, s13, s9, $0xb8;
	[tilespmem:$0x4200] =	vst v63  }
0xc9: {  	_ = 	snop  }
0xca: {  	[tilespmem:s16], [sflag:$0x1] =	stream.indirect.gather [hbm4b:s7+s9], $0x20, s15, s9, $0xb8;
	[tilespmem:$0x4200] =	vst v63  }
0xcb: {  	_ =	swait.ge [sflag:s8], $0x1000  }
0xcc: {  	[sflag:s8] =	ssyncset.done $0x0  }
0xcd: {  	[sflag:s8] =	ssyncadd.s32 $0xFFFFF000  }
0xce: {  	_ =	swait.ge [sflag:s8], $0x1000  }
0xcf: {  	[sflag:s8] =	ssyncset.done $0x0  }
0xd0: {  	[sflag:s8] =	ssyncadd.s32 $0xFFFFF000  }
0xd1: {  	_ =	swait.ge [sflag:s8], $0x1000  }
0xd2: {  	[sflag:s8] =	ssyncset.done $0x0  }
0xd3: {  	[sflag:s8] =	ssyncadd.s32 $0xFFFFF000  }
0xd4: {  	_ =	swait.ge [sflag:s8], $0x1000  }
0xd5: {  	[sflag:s8] =	ssyncset.done $0x0  }
0xd6: {  	[sflag:s8] =	ssyncadd.s32 $0xFFFFF000  }
0xd7: {  	[hbm4b:s11+s2] =	stream.linear.scatter [tilespmem:s6], [sflag:$0x2], $0x4000, $0x38;
	[tilespmem:$0x4200] =	vst v63  }
0xd8: {  	_ =	swait.ge [sflag:s4], $0x4000  }
0xd9: {  	[sflag:s4] =	ssyncset.done $0x0  }
0xda: {  	[sflag:s4] =	ssyncadd.s32 $0xFFFFC000  }
0xdb: {  	[tilespmem:s2], [sflag:$0x2] =	stream.linear.gather [hbm4b:s10+s2], $0x200, $0x38;
	[tilespmem:$0x4200] =	vst v63  }
0xdc: {  	_ =	swait.ge [sflag:s4], $0x200  }
0xdd: {  	[sflag:s4] =	ssyncset.done $0x0  }
0xde: {  	[sflag:s4] =	ssyncadd.s32 $0xFFFFFE00  }
0xdf: {  	[tilespmem:s6], [sflag:$0x1] =	stream.indirect.gather [hbm4b:s3+s9], $0x20, s2, s9, $0xb8;
	[tilespmem:$0x4200] =	vst v63  }
0xe0: {  	_ = 	snop  }
0xe1: {  	[tilespmem:s12], [sflag:$0x1] =	stream.indirect.gather [hbm4b:s3+s9], $0x20, s9, s9, $0xb8;
	[tilespmem:$0x4200] =	vst v63  }
0xe2: {  	_ = 	snop  }
0xe3: {  	[tilespmem:s14], [sflag:$0x1] =	stream.indirect.gather [hbm4b:s3+s9], $0x20, s13, s9, $0xb8;
	[tilespmem:$0x4200] =	vst v63  }
0xe4: {  	_ = 	snop  }
0xe5: {  	[tilespmem:s16], [sflag:$0x1] =	stream.indirect.gather [hbm4b:s3+s9], $0x20, s15, s9, $0xb8;
	[tilespmem:$0x4200] =	vst v63  }
0xe6: {  	_ =	swait.ge [sflag:s8], $0x1000  }
0xe7: {  	[sflag:s8] =	ssyncset.done $0x0  }
0xe8: {  	[sflag:s8] =	ssyncadd.s32 $0xFFFFF000  }
0xe9: {  	_ =	swait.ge [sflag:s8], $0x1000  }
0xea: {  	[sflag:s8] =	ssyncset.done $0x0  }
0xeb: {  	[sflag:s8] =	ssyncadd.s32 $0xFFFFF000  }
0xec: {  	_ =	swait.ge [sflag:s8], $0x1000  }
0xed: {  	[sflag:s8] =	ssyncset.done $0x0  }
0xee: {  	[sflag:s8] =	ssyncadd.s32 $0xFFFFF000  }
0xef: {  	p1 =	sne.s32 s0, $0x1;
	_ =	swait.ge [sflag:s8], $0x1000  }
.Ltmp1:
0xf0: {  	[sflag:s8] =	ssyncset.done $0x0;
	(pc) =	sbr.rel @!p1 .LBB2_3-.Ltmp1, $4  }
0xf1: {  	[sflag:s8] =	ssyncadd.s32 $0xFFFFF000  }
0xf2: {  	[hbm4b:s5+s2] =	stream.linear.scatter [tilespmem:s6], [sflag:$0x2], $0x4000, $0x38;
	[tilespmem:$0x4200] =	vst v63  }
0xf3: {  	s0 =	sadd.s32 $0xFFFFFFFF, s0;
	_ =	swait.ge [sflag:s4], $0x4000  }
0xf4: {  	p0 =	por $0x1, $0x1;
	s1 =	rddreg [dreg:$0xb];
	[sflag:s4] =	ssyncset.done $0x0  }
.LBB2_2:
0xf5: {  	[sflag:s4] =	ssyncadd.s32 $0xFFFFC000  }
0xf6: {  	[tilespmem:s2], [sflag:$0x2] =	stream.linear.gather [hbm4b:s1+s2], $0x200, $0x38;
	[tilespmem:$0x4200] =	vst v63  }
0xf7: {  	_ =	swait.ge [sflag:s4], $0x200  }
0xf8: {  	[sflag:s4] =	ssyncset.done $0x0  }
0xf9: {  	[sflag:s4] =	ssyncadd.s32 $0xFFFFFE00  }
0xfa: {  	[tilespmem:s6], [sflag:$0x1] =	stream.indirect.gather [hbm4b:s31+s9], $0x20, s2, s9, $0xb8;
	[tilespmem:$0x4200] =	vst v63  }
0xfb: {  	_ = 	snop  }
0xfc: {  	[tilespmem:s12], [sflag:$0x1] =	stream.indirect.gather [hbm4b:s31+s9], $0x20, s9, s9, $0xb8;
	[tilespmem:$0x4200] =	vst v63  }
0xfd: {  	_ = 	snop  }
0xfe: {  	[tilespmem:s14], [sflag:$0x1] =	stream.indirect.gather [hbm4b:s31+s9], $0x20, s13, s9, $0xb8;
	[tilespmem:$0x4200] =	vst v63  }
0xff: {  	_ = 	snop  }
0x100: {  	[tilespmem:s16], [sflag:$0x1] =	stream.indirect.gather [hbm4b:s31+s9], $0x20, s15, s9, $0xb8;
	[tilespmem:$0x4200] =	vst v63  }
0x101: {  	_ =	swait.ge [sflag:s8], $0x1000  }
0x102: {  	[sflag:s8] =	ssyncset.done $0x0  }
0x103: {  	[sflag:s8] =	ssyncadd.s32 $0xFFFFF000  }
0x104: {  	_ =	swait.ge [sflag:s8], $0x1000  }
0x105: {  	[sflag:s8] =	ssyncset.done $0x0  }
0x106: {  	[sflag:s8] =	ssyncadd.s32 $0xFFFFF000  }
0x107: {  	_ =	swait.ge [sflag:s8], $0x1000  }
0x108: {  	[sflag:s8] =	ssyncset.done $0x0  }
0x109: {  	[sflag:s8] =	ssyncadd.s32 $0xFFFFF000  }
0x10a: {  	_ =	swait.ge [sflag:s8], $0x1000  }
0x10b: {  	[sflag:s8] =	ssyncset.done $0x0  }
0x10c: {  	s1 =	rddreg [dreg:$0xc];
	[sflag:s8] =	ssyncadd.s32 $0xFFFFF000  }
0x10d: {  	[hbm4b:s1+s2] =	stream.linear.scatter [tilespmem:s6], [sflag:$0x2], $0x4000, $0x38;
	[tilespmem:$0x4200] =	vst v63  }
0x10e: {  	_ =	swait.ge [sflag:s4], $0x4000  }
0x10f: {  	[sflag:s4] =	ssyncset.done $0x0  }
0x110: {  	s1 =	rddreg [dreg:$0xd];
	[sflag:s4] =	ssyncadd.s32 $0xFFFFC000  }
0x111: {  	[tilespmem:s2], [sflag:$0x2] =	stream.linear.gather [hbm4b:s1+s2], $0x200, $0x38;
	[tilespmem:$0x4200] =	vst v63  }
0x112: {  	_ =	swait.ge [sflag:s4], $0x200  }
0x113: {  	[sflag:s4] =	ssyncset.done $0x0  }
0x114: {  	[sflag:s4] =	ssyncadd.s32 $0xFFFFFE00  }
0x115: {  	[tilespmem:s6], [sflag:$0x1] =	stream.indirect.gather [hbm4b:s29+s9], $0x20, s2, s9, $0xb8;
	[tilespmem:$0x4200] =	vst v63  }
0x116: {  	_ = 	snop  }
0x117: {  	[tilespmem:s12], [sflag:$0x1] =	stream.indirect.gather [hbm4b:s29+s9], $0x20, s9, s9, $0xb8;
	[tilespmem:$0x4200] =	vst v63  }
0x118: {  	_ = 	snop  }
0x119: {  	[tilespmem:s14], [sflag:$0x1] =	stream.indirect.gather [hbm4b:s29+s9], $0x20, s13, s9, $0xb8;
	[tilespmem:$0x4200] =	vst v63  }
0x11a: {  	_ = 	snop  }
0x11b: {  	[tilespmem:s16], [sflag:$0x1] =	stream.indirect.gather [hbm4b:s29+s9], $0x20, s15, s9, $0xb8;
	[tilespmem:$0x4200] =	vst v63  }
0x11c: {  	_ =	swait.ge [sflag:s8], $0x1000  }
0x11d: {  	[sflag:s8] =	ssyncset.done $0x0  }
0x11e: {  	[sflag:s8] =	ssyncadd.s32 $0xFFFFF000  }
0x11f: {  	_ =	swait.ge [sflag:s8], $0x1000  }
0x120: {  	[sflag:s8] =	ssyncset.done $0x0  }
0x121: {  	[sflag:s8] =	ssyncadd.s32 $0xFFFFF000  }
0x122: {  	_ =	swait.ge [sflag:s8], $0x1000  }
0x123: {  	[sflag:s8] =	ssyncset.done $0x0  }
0x124: {  	[sflag:s8] =	ssyncadd.s32 $0xFFFFF000  }
0x125: {  	_ =	swait.ge [sflag:s8], $0x1000  }
0x126: {  	[sflag:s8] =	ssyncset.done $0x0  }
0x127: {  	s1 =	rddreg [dreg:$0xe];
	[sflag:s8] =	ssyncadd.s32 $0xFFFFF000  }
0x128: {  	[hbm4b:s1+s2] =	stream.linear.scatter [tilespmem:s6], [sflag:$0x2], $0x4000, $0x38;
	[tilespmem:$0x4200] =	vst v63  }
0x129: {  	_ =	swait.ge [sflag:s4], $0x4000  }
0x12a: {  	[sflag:s4] =	ssyncset.done $0x0  }
0x12b: {  	s1 =	rddreg [dreg:$0xf];
	[sflag:s4] =	ssyncadd.s32 $0xFFFFC000  }
0x12c: {  	[tilespmem:s2], [sflag:$0x2] =	stream.linear.gather [hbm4b:s1+s2], $0x200, $0x38;
	[tilespmem:$0x4200] =	vst v63  }
0x12d: {  	_ =	swait.ge [sflag:s4], $0x200  }
0x12e: {  	[sflag:s4] =	ssyncset.done $0x0  }
0x12f: {  	[sflag:s4] =	ssyncadd.s32 $0xFFFFFE00  }
0x130: {  	[tilespmem:s6], [sflag:$0x1] =	stream.indirect.gather [hbm4b:s26+s9], $0x20, s2, s9, $0xb8;
	[tilespmem:$0x4200] =	vst v63  }
0x131: {  	_ = 	snop  }
0x132: {  	[tilespmem:s12], [sflag:$0x1] =	stream.indirect.gather [hbm4b:s26+s9], $0x20, s9, s9, $0xb8;
	[tilespmem:$0x4200] =	vst v63  }
0x133: {  	_ = 	snop  }
0x134: {  	[tilespmem:s14], [sflag:$0x1] =	stream.indirect.gather [hbm4b:s26+s9], $0x20, s13, s9, $0xb8;
	[tilespmem:$0x4200] =	vst v63  }
0x135: {  	_ = 	snop  }
0x136: {  	[tilespmem:s16], [sflag:$0x1] =	stream.indirect.gather [hbm4b:s26+s9], $0x20, s15, s9, $0xb8;
	[tilespmem:$0x4200] =	vst v63  }
0x137: {  	_ =	swait.ge [sflag:s8], $0x1000  }
0x138: {  	[sflag:s8] =	ssyncset.done $0x0  }
0x139: {  	[sflag:s8] =	ssyncadd.s32 $0xFFFFF000  }
0x13a: {  	_ =	swait.ge [sflag:s8], $0x1000  }
0x13b: {  	[sflag:s8] =	ssyncset.done $0x0  }
0x13c: {  	[sflag:s8] =	ssyncadd.s32 $0xFFFFF000  }
0x13d: {  	_ =	swait.ge [sflag:s8], $0x1000  }
0x13e: {  	[sflag:s8] =	ssyncset.done $0x0  }
0x13f: {  	[sflag:s8] =	ssyncadd.s32 $0xFFFFF000  }
0x140: {  	_ =	swait.ge [sflag:s8], $0x1000  }
0x141: {  	[sflag:s8] =	ssyncset.done $0x0  }
0x142: {  	[sflag:s8] =	ssyncadd.s32 $0xFFFFF000  }
0x143: {  	[hbm4b:s30+s2] =	stream.linear.scatter [tilespmem:s6], [sflag:$0x2], $0x4000, $0x38;
	[tilespmem:$0x4200] =	vst v63  }
0x144: {  	_ =	swait.ge [sflag:s4], $0x4000  }
0x145: {  	[sflag:s4] =	ssyncset.done $0x0  }
0x146: {  	[sflag:s4] =	ssyncadd.s32 $0xFFFFC000  }
0x147: {  	[tilespmem:s2], [sflag:$0x2] =	stream.linear.gather [hbm4b:s28+s2], $0x200, $0x38;
	[tilespmem:$0x4200] =	vst v63  }
0x148: {  	_ =	swait.ge [sflag:s4], $0x200  }
0x149: {  	[sflag:s4] =	ssyncset.done $0x0  }
0x14a: {  	[sflag:s4] =	ssyncadd.s32 $0xFFFFFE00  }
0x14b: {  	[tilespmem:s6], [sflag:$0x1] =	stream.indirect.gather [hbm4b:s23+s9], $0x20, s2, s9, $0xb8;
	[tilespmem:$0x4200] =	vst v63  }
0x14c: {  	_ = 	snop  }
0x14d: {  	[tilespmem:s12], [sflag:$0x1] =	stream.indirect.gather [hbm4b:s23+s9], $0x20, s9, s9, $0xb8;
	[tilespmem:$0x4200] =	vst v63  }
0x14e: {  	_ = 	snop  }
0x14f: {  	[tilespmem:s14], [sflag:$0x1] =	stream.indirect.gather [hbm4b:s23+s9], $0x20, s13, s9, $0xb8;
	[tilespmem:$0x4200] =	vst v63  }
0x150: {  	_ = 	snop  }
0x151: {  	[tilespmem:s16], [sflag:$0x1] =	stream.indirect.gather [hbm4b:s23+s9], $0x20, s15, s9, $0xb8;
	[tilespmem:$0x4200] =	vst v63  }
0x152: {  	_ =	swait.ge [sflag:s8], $0x1000  }
0x153: {  	[sflag:s8] =	ssyncset.done $0x0  }
0x154: {  	[sflag:s8] =	ssyncadd.s32 $0xFFFFF000  }
0x155: {  	_ =	swait.ge [sflag:s8], $0x1000  }
0x156: {  	[sflag:s8] =	ssyncset.done $0x0  }
0x157: {  	[sflag:s8] =	ssyncadd.s32 $0xFFFFF000  }
0x158: {  	_ =	swait.ge [sflag:s8], $0x1000  }
0x159: {  	[sflag:s8] =	ssyncset.done $0x0  }
0x15a: {  	[sflag:s8] =	ssyncadd.s32 $0xFFFFF000  }
0x15b: {  	_ =	swait.ge [sflag:s8], $0x1000  }
0x15c: {  	[sflag:s8] =	ssyncset.done $0x0  }
0x15d: {  	[sflag:s8] =	ssyncadd.s32 $0xFFFFF000  }
0x15e: {  	[hbm4b:s25+s2] =	stream.linear.scatter [tilespmem:s6], [sflag:$0x2], $0x4000, $0x38;
	[tilespmem:$0x4200] =	vst v63  }
0x15f: {  	_ =	swait.ge [sflag:s4], $0x4000  }
0x160: {  	[sflag:s4] =	ssyncset.done $0x0  }
0x161: {  	[sflag:s4] =	ssyncadd.s32 $0xFFFFC000  }
0x162: {  	[tilespmem:s2], [sflag:$0x2] =	stream.linear.gather [hbm4b:s24+s2], $0x200, $0x38;
	[tilespmem:$0x4200] =	vst v63  }
0x163: {  	_ =	swait.ge [sflag:s4], $0x200  }
0x164: {  	[sflag:s4] =	ssyncset.done $0x0  }
0x165: {  	[sflag:s4] =	ssyncadd.s32 $0xFFFFFE00  }
0x166: {  	[tilespmem:s6], [sflag:$0x1] =	stream.indirect.gather [hbm4b:s20+s9], $0x20, s2, s9, $0xb8;
	[tilespmem:$0x4200] =	vst v63  }
0x167: {  	_ = 	snop  }
0x168: {  	[tilespmem:s12], [sflag:$0x1] =	stream.indirect.gather [hbm4b:s20+s9], $0x20, s9, s9, $0xb8;
	[tilespmem:$0x4200] =	vst v63  }
0x169: {  	_ = 	snop  }
0x16a: {  	[tilespmem:s14], [sflag:$0x1] =	stream.indirect.gather [hbm4b:s20+s9], $0x20, s13, s9, $0xb8;
	[tilespmem:$0x4200] =	vst v63  }
0x16b: {  	_ = 	snop  }
0x16c: {  	[tilespmem:s16], [sflag:$0x1] =	stream.indirect.gather [hbm4b:s20+s9], $0x20, s15, s9, $0xb8;
	[tilespmem:$0x4200] =	vst v63  }
0x16d: {  	_ =	swait.ge [sflag:s8], $0x1000  }
0x16e: {  	[sflag:s8] =	ssyncset.done $0x0  }
0x16f: {  	[sflag:s8] =	ssyncadd.s32 $0xFFFFF000  }
0x170: {  	_ =	swait.ge [sflag:s8], $0x1000  }
0x171: {  	[sflag:s8] =	ssyncset.done $0x0  }
0x172: {  	[sflag:s8] =	ssyncadd.s32 $0xFFFFF000  }
0x173: {  	_ =	swait.ge [sflag:s8], $0x1000  }
0x174: {  	[sflag:s8] =	ssyncset.done $0x0  }
0x175: {  	[sflag:s8] =	ssyncadd.s32 $0xFFFFF000  }
0x176: {  	_ =	swait.ge [sflag:s8], $0x1000  }
0x177: {  	[sflag:s8] =	ssyncset.done $0x0  }
0x178: {  	[sflag:s8] =	ssyncadd.s32 $0xFFFFF000  }
0x179: {  	[hbm4b:s22+s2] =	stream.linear.scatter [tilespmem:s6], [sflag:$0x2], $0x4000, $0x38;
	[tilespmem:$0x4200] =	vst v63  }
0x17a: {  	_ =	swait.ge [sflag:s4], $0x4000  }
0x17b: {  	[sflag:s4] =	ssyncset.done $0x0  }
0x17c: {  	[sflag:s4] =	ssyncadd.s32 $0xFFFFC000  }
0x17d: {  	[tilespmem:s2], [sflag:$0x2] =	stream.linear.gather [hbm4b:s21+s2], $0x200, $0x38;
	[tilespmem:$0x4200] =	vst v63  }
0x17e: {  	_ =	swait.ge [sflag:s4], $0x200  }
0x17f: {  	[sflag:s4] =	ssyncset.done $0x0  }
0x180: {  	[sflag:s4] =	ssyncadd.s32 $0xFFFFFE00  }
0x181: {  	[tilespmem:s6], [sflag:$0x1] =	stream.indirect.gather [hbm4b:s17+s9], $0x20, s2, s9, $0xb8;
	[tilespmem:$0x4200] =	vst v63  }
0x182: {  	_ = 	snop  }
0x183: {  	[tilespmem:s12], [sflag:$0x1] =	stream.indirect.gather [hbm4b:s17+s9], $0x20, s9, s9, $0xb8;
	[tilespmem:$0x4200] =	vst v63  }
0x184: {  	_ = 	snop  }
0x185: {  	[tilespmem:s14], [sflag:$0x1] =	stream.indirect.gather [hbm4b:s17+s9], $0x20, s13, s9, $0xb8;
	[tilespmem:$0x4200] =	vst v63  }
0x186: {  	_ = 	snop  }
0x187: {  	[tilespmem:s16], [sflag:$0x1] =	stream.indirect.gather [hbm4b:s17+s9], $0x20, s15, s9, $0xb8;
	[tilespmem:$0x4200] =	vst v63  }
0x188: {  	_ =	swait.ge [sflag:s8], $0x1000  }
0x189: {  	[sflag:s8] =	ssyncset.done $0x0  }
0x18a: {  	[sflag:s8] =	ssyncadd.s32 $0xFFFFF000  }
0x18b: {  	_ =	swait.ge [sflag:s8], $0x1000  }
0x18c: {  	[sflag:s8] =	ssyncset.done $0x0  }
0x18d: {  	[sflag:s8] =	ssyncadd.s32 $0xFFFFF000  }
0x18e: {  	_ =	swait.ge [sflag:s8], $0x1000  }
0x18f: {  	[sflag:s8] =	ssyncset.done $0x0  }
0x190: {  	[sflag:s8] =	ssyncadd.s32 $0xFFFFF000  }
0x191: {  	_ =	swait.ge [sflag:s8], $0x1000  }
0x192: {  	[sflag:s8] =	ssyncset.done $0x0  }
0x193: {  	[sflag:s8] =	ssyncadd.s32 $0xFFFFF000  }
0x194: {  	[hbm4b:s19+s2] =	stream.linear.scatter [tilespmem:s6], [sflag:$0x2], $0x4000, $0x38;
	[tilespmem:$0x4200] =	vst v63  }
0x195: {  	_ =	swait.ge [sflag:s4], $0x4000  }
0x196: {  	[sflag:s4] =	ssyncset.done $0x0  }
0x197: {  	[sflag:s4] =	ssyncadd.s32 $0xFFFFC000  }
0x198: {  	[tilespmem:s2], [sflag:$0x2] =	stream.linear.gather [hbm4b:s18+s2], $0x200, $0x38;
	[tilespmem:$0x4200] =	vst v63  }
0x199: {  	_ =	swait.ge [sflag:s4], $0x200  }
0x19a: {  	[sflag:s4] =	ssyncset.done $0x0  }
0x19b: {  	[sflag:s4] =	ssyncadd.s32 $0xFFFFFE00  }
0x19c: {  	[tilespmem:s6], [sflag:$0x1] =	stream.indirect.gather [hbm4b:s7+s9], $0x20, s2, s9, $0xb8;
	[tilespmem:$0x4200] =	vst v63  }
0x19d: {  	_ = 	snop  }
0x19e: {  	[tilespmem:s12], [sflag:$0x1] =	stream.indirect.gather [hbm4b:s7+s9], $0x20, s9, s9, $0xb8;
	[tilespmem:$0x4200] =	vst v63  }
0x19f: {  	_ = 	snop  }
0x1a0: {  	[tilespmem:s14], [sflag:$0x1] =	stream.indirect.gather [hbm4b:s7+s9], $0x20, s13, s9, $0xb8;
	[tilespmem:$0x4200] =	vst v63  }
0x1a1: {  	_ = 	snop  }
0x1a2: {  	[tilespmem:s16], [sflag:$0x1] =	stream.indirect.gather [hbm4b:s7+s9], $0x20, s15, s9, $0xb8;
	[tilespmem:$0x4200] =	vst v63  }
0x1a3: {  	_ =	swait.ge [sflag:s8], $0x1000  }
0x1a4: {  	[sflag:s8] =	ssyncset.done $0x0  }
0x1a5: {  	[sflag:s8] =	ssyncadd.s32 $0xFFFFF000  }
0x1a6: {  	_ =	swait.ge [sflag:s8], $0x1000  }
0x1a7: {  	[sflag:s8] =	ssyncset.done $0x0  }
0x1a8: {  	[sflag:s8] =	ssyncadd.s32 $0xFFFFF000  }
0x1a9: {  	_ =	swait.ge [sflag:s8], $0x1000  }
0x1aa: {  	[sflag:s8] =	ssyncset.done $0x0  }
0x1ab: {  	[sflag:s8] =	ssyncadd.s32 $0xFFFFF000  }
0x1ac: {  	_ =	swait.ge [sflag:s8], $0x1000  }
0x1ad: {  	[sflag:s8] =	ssyncset.done $0x0  }
0x1ae: {  	[sflag:s8] =	ssyncadd.s32 $0xFFFFF000  }
0x1af: {  	[hbm4b:s11+s2] =	stream.linear.scatter [tilespmem:s6], [sflag:$0x2], $0x4000, $0x38;
	[tilespmem:$0x4200] =	vst v63  }
0x1b0: {  	_ =	swait.ge [sflag:s4], $0x4000  }
0x1b1: {  	[sflag:s4] =	ssyncset.done $0x0  }
0x1b2: {  	[sflag:s4] =	ssyncadd.s32 $0xFFFFC000  }
0x1b3: {  	[tilespmem:s2], [sflag:$0x2] =	stream.linear.gather [hbm4b:s10+s2], $0x200, $0x38;
	[tilespmem:$0x4200] =	vst v63  }
0x1b4: {  	_ =	swait.ge [sflag:s4], $0x200  }
0x1b5: {  	[sflag:s4] =	ssyncset.done $0x0  }
0x1b6: {  	[sflag:s4] =	ssyncadd.s32 $0xFFFFFE00  }
0x1b7: {  	[tilespmem:s6], [sflag:$0x1] =	stream.indirect.gather [hbm4b:s3+s9], $0x20, s2, s9, $0xb8;
	[tilespmem:$0x4200] =	vst v63  }
0x1b8: {  	_ = 	snop  }
0x1b9: {  	[tilespmem:s12], [sflag:$0x1] =	stream.indirect.gather [hbm4b:s3+s9], $0x20, s9, s9, $0xb8;
	[tilespmem:$0x4200] =	vst v63  }
0x1ba: {  	_ = 	snop  }
0x1bb: {  	[tilespmem:s14], [sflag:$0x1] =	stream.indirect.gather [hbm4b:s3+s9], $0x20, s13, s9, $0xb8;
	[tilespmem:$0x4200] =	vst v63  }
0x1bc: {  	_ = 	snop  }
0x1bd: {  	[tilespmem:s16], [sflag:$0x1] =	stream.indirect.gather [hbm4b:s3+s9], $0x20, s15, s9, $0xb8;
	[tilespmem:$0x4200] =	vst v63  }
0x1be: {  	_ =	swait.ge [sflag:s8], $0x1000  }
0x1bf: {  	[sflag:s8] =	ssyncset.done $0x0  }
0x1c0: {  	[sflag:s8] =	ssyncadd.s32 $0xFFFFF000  }
0x1c1: {  	_ =	swait.ge [sflag:s8], $0x1000  }
0x1c2: {  	[sflag:s8] =	ssyncset.done $0x0  }
0x1c3: {  	[sflag:s8] =	ssyncadd.s32 $0xFFFFF000  }
0x1c4: {  	_ =	swait.ge [sflag:s8], $0x1000  }
0x1c5: {  	[sflag:s8] =	ssyncset.done $0x0  }
0x1c6: {  	[sflag:s8] =	ssyncadd.s32 $0xFFFFF000  }
0x1c7: {  	p1 =	sne.s32 s0, $0x1;
	_ =	swait.ge [sflag:s8], $0x1000  }
.Ltmp2:
0x1c8: {  	[sflag:s8] =	ssyncset.done $0x0;
	(pc) =	sbr.rel @p1 .LBB2_2-.Ltmp2, $4  }
0x1c9: {  	[sflag:s8] =	ssyncadd.s32 $0xFFFFF000  }
0x1ca: {  	[hbm4b:s5+s2] =	stream.linear.scatter [tilespmem:s6], [sflag:$0x2], $0x4000, $0x38;
	[tilespmem:$0x4200] =	vst v63  }
0x1cb: {  	_ =	swait.ge [sflag:s4], $0x4000  }
0x1cc: {  	s0 =	sadd.s32 $0xFFFFFFFF, s0;
	s1 =	rddreg [dreg:$0xb];
	[sflag:s4] =	ssyncset.done $0x0  }
.LBB2_3:
0x1cd: {  	[sflag:s4] =	ssyncadd.s32 @p0 $0xFFFFC000  }
0x1ce: {  	[tilespmem:s2], [sflag:$0x2] =	stream.linear.gather [hbm4b:s1+s2], $0x200, $0x38;
	[tilespmem:$0x4200] =	vst v63  }
0x1cf: {  	_ =	swait.ge [sflag:s4], $0x200  }
0x1d0: {  	[sflag:s4] =	ssyncset.done $0x0  }
0x1d1: {  	[sflag:s4] =	ssyncadd.s32 $0xFFFFFE00  }
0x1d2: {  	[tilespmem:s6], [sflag:$0x1] =	stream.indirect.gather [hbm4b:s31+s9], $0x20, s2, s9, $0xb8;
	[tilespmem:$0x4200] =	vst v63  }
0x1d3: {  	_ = 	snop  }
0x1d4: {  	[tilespmem:s12], [sflag:$0x1] =	stream.indirect.gather [hbm4b:s31+s9], $0x20, s9, s9, $0xb8;
	[tilespmem:$0x4200] =	vst v63  }
0x1d5: {  	_ = 	snop  }
0x1d6: {  	[tilespmem:s14], [sflag:$0x1] =	stream.indirect.gather [hbm4b:s31+s9], $0x20, s13, s9, $0xb8;
	[tilespmem:$0x4200] =	vst v63  }
0x1d7: {  	_ = 	snop  }
0x1d8: {  	[tilespmem:s16], [sflag:$0x1] =	stream.indirect.gather [hbm4b:s31+s9], $0x20, s15, s9, $0xb8;
	[tilespmem:$0x4200] =	vst v63  }
0x1d9: {  	_ =	swait.ge [sflag:s8], $0x1000  }
0x1da: {  	[sflag:s8] =	ssyncset.done $0x0  }
0x1db: {  	[sflag:s8] =	ssyncadd.s32 $0xFFFFF000  }
0x1dc: {  	_ =	swait.ge [sflag:s8], $0x1000  }
0x1dd: {  	[sflag:s8] =	ssyncset.done $0x0  }
0x1de: {  	[sflag:s8] =	ssyncadd.s32 $0xFFFFF000  }
0x1df: {  	_ =	swait.ge [sflag:s8], $0x1000  }
0x1e0: {  	[sflag:s8] =	ssyncset.done $0x0  }
0x1e1: {  	[sflag:s8] =	ssyncadd.s32 $0xFFFFF000  }
0x1e2: {  	_ =	swait.ge [sflag:s8], $0x1000  }
0x1e3: {  	[sflag:s8] =	ssyncset.done $0x0  }
0x1e4: {  	s0 =	rddreg [dreg:$0xc];
	[sflag:s8] =	ssyncadd.s32 $0xFFFFF000  }
0x1e5: {  	[hbm4b:s0+s2] =	stream.linear.scatter [tilespmem:s6], [sflag:$0x2], $0x4000, $0x38;
	[tilespmem:$0x4200] =	vst v63  }
0x1e6: {  	_ =	swait.ge [sflag:s4], $0x4000  }
0x1e7: {  	[sflag:s4] =	ssyncset.done $0x0  }
0x1e8: {  	s31 =	rddreg [dreg:$0xd];
	[sflag:s4] =	ssyncadd.s32 $0xFFFFC000  }
0x1e9: {  	[tilespmem:s2], [sflag:$0x2] =	stream.linear.gather [hbm4b:s31+s2], $0x200, $0x38;
	[tilespmem:$0x4200] =	vst v63  }
0x1ea: {  	_ =	swait.ge [sflag:s4], $0x200  }
0x1eb: {  	[sflag:s4] =	ssyncset.done $0x0  }
0x1ec: {  	[sflag:s4] =	ssyncadd.s32 $0xFFFFFE00  }
0x1ed: {  	[tilespmem:s6], [sflag:$0x1] =	stream.indirect.gather [hbm4b:s29+s9], $0x20, s2, s9, $0xb8;
	[tilespmem:$0x4200] =	vst v63  }
0x1ee: {  	_ = 	snop  }
0x1ef: {  	[tilespmem:s12], [sflag:$0x1] =	stream.indirect.gather [hbm4b:s29+s9], $0x20, s9, s9, $0xb8;
	[tilespmem:$0x4200] =	vst v63  }
0x1f0: {  	_ = 	snop  }
0x1f1: {  	[tilespmem:s14], [sflag:$0x1] =	stream.indirect.gather [hbm4b:s29+s9], $0x20, s13, s9, $0xb8;
	[tilespmem:$0x4200] =	vst v63  }
0x1f2: {  	_ = 	snop  }
0x1f3: {  	[tilespmem:s16], [sflag:$0x1] =	stream.indirect.gather [hbm4b:s29+s9], $0x20, s15, s9, $0xb8;
	[tilespmem:$0x4200] =	vst v63  }
0x1f4: {  	_ =	swait.ge [sflag:s8], $0x1000  }
0x1f5: {  	[sflag:s8] =	ssyncset.done $0x0  }
0x1f6: {  	[sflag:s8] =	ssyncadd.s32 $0xFFFFF000  }
0x1f7: {  	_ =	swait.ge [sflag:s8], $0x1000  }
0x1f8: {  	[sflag:s8] =	ssyncset.done $0x0  }
0x1f9: {  	[sflag:s8] =	ssyncadd.s32 $0xFFFFF000  }
0x1fa: {  	_ =	swait.ge [sflag:s8], $0x1000  }
0x1fb: {  	[sflag:s8] =	ssyncset.done $0x0  }
0x1fc: {  	[sflag:s8] =	ssyncadd.s32 $0xFFFFF000  }
0x1fd: {  	_ =	swait.ge [sflag:s8], $0x1000  }
0x1fe: {  	[sflag:s8] =	ssyncset.done $0x0  }
0x1ff: {  	s1 =	rddreg [dreg:$0xe];
	[sflag:s8] =	ssyncadd.s32 $0xFFFFF000  }
0x200: {  	[hbm4b:s1+s2] =	stream.linear.scatter [tilespmem:s6], [sflag:$0x2], $0x4000, $0x38;
	[tilespmem:$0x4200] =	vst v63  }
0x201: {  	_ =	swait.ge [sflag:s4], $0x4000  }
0x202: {  	[sflag:s4] =	ssyncset.done $0x0  }
0x203: {  	s29 =	rddreg [dreg:$0xf];
	[sflag:s4] =	ssyncadd.s32 $0xFFFFC000  }
0x204: {  	[tilespmem:s2], [sflag:$0x2] =	stream.linear.gather [hbm4b:s29+s2], $0x200, $0x38;
	[tilespmem:$0x4200] =	vst v63  }
0x205: {  	_ =	swait.ge [sflag:s4], $0x200  }
0x206: {  	[sflag:s4] =	ssyncset.done $0x0  }
0x207: {  	[sflag:s4] =	ssyncadd.s32 $0xFFFFFE00  }
0x208: {  	[tilespmem:s6], [sflag:$0x1] =	stream.indirect.gather [hbm4b:s26+s9], $0x20, s2, s9, $0xb8;
	[tilespmem:$0x4200] =	vst v63  }
0x209: {  	_ = 	snop  }
0x20a: {  	[tilespmem:s12], [sflag:$0x1] =	stream.indirect.gather [hbm4b:s26+s9], $0x20, s9, s9, $0xb8;
	[tilespmem:$0x4200] =	vst v63  }
0x20b: {  	_ = 	snop  }
0x20c: {  	[tilespmem:s14], [sflag:$0x1] =	stream.indirect.gather [hbm4b:s26+s9], $0x20, s13, s9, $0xb8;
	[tilespmem:$0x4200] =	vst v63  }
0x20d: {  	_ = 	snop  }
0x20e: {  	[tilespmem:s16], [sflag:$0x1] =	stream.indirect.gather [hbm4b:s26+s9], $0x20, s15, s9, $0xb8;
	[tilespmem:$0x4200] =	vst v63  }
0x20f: {  	_ =	swait.ge [sflag:s8], $0x1000  }
0x210: {  	[sflag:s8] =	ssyncset.done $0x0  }
0x211: {  	[sflag:s8] =	ssyncadd.s32 $0xFFFFF000  }
0x212: {  	_ =	swait.ge [sflag:s8], $0x1000  }
0x213: {  	[sflag:s8] =	ssyncset.done $0x0  }
0x214: {  	[sflag:s8] =	ssyncadd.s32 $0xFFFFF000  }
0x215: {  	_ =	swait.ge [sflag:s8], $0x1000  }
0x216: {  	[sflag:s8] =	ssyncset.done $0x0  }
0x217: {  	[sflag:s8] =	ssyncadd.s32 $0xFFFFF000  }
0x218: {  	_ =	swait.ge [sflag:s8], $0x1000  }
0x219: {  	[sflag:s8] =	ssyncset.done $0x0  }
0x21a: {  	[sflag:s8] =	ssyncadd.s32 $0xFFFFF000  }
0x21b: {  	[hbm4b:s30+s2] =	stream.linear.scatter [tilespmem:s6], [sflag:$0x2], $0x4000, $0x38;
	[tilespmem:$0x4200] =	vst v63  }
0x21c: {  	_ =	swait.ge [sflag:s4], $0x4000  }
0x21d: {  	[sflag:s4] =	ssyncset.done $0x0  }
0x21e: {  	[sflag:s4] =	ssyncadd.s32 $0xFFFFC000  }
0x21f: {  	[tilespmem:s2], [sflag:$0x2] =	stream.linear.gather [hbm4b:s28+s2], $0x200, $0x38;
	[tilespmem:$0x4200] =	vst v63  }
0x220: {  	_ =	swait.ge [sflag:s4], $0x200  }
0x221: {  	[sflag:s4] =	ssyncset.done $0x0  }
0x222: {  	[sflag:s4] =	ssyncadd.s32 $0xFFFFFE00  }
0x223: {  	[tilespmem:s6], [sflag:$0x1] =	stream.indirect.gather [hbm4b:s23+s9], $0x20, s2, s9, $0xb8;
	[tilespmem:$0x4200] =	vst v63  }
0x224: {  	_ = 	snop  }
0x225: {  	[tilespmem:s12], [sflag:$0x1] =	stream.indirect.gather [hbm4b:s23+s9], $0x20, s9, s9, $0xb8;
	[tilespmem:$0x4200] =	vst v63  }
0x226: {  	_ = 	snop  }
0x227: {  	[tilespmem:s14], [sflag:$0x1] =	stream.indirect.gather [hbm4b:s23+s9], $0x20, s13, s9, $0xb8;
	[tilespmem:$0x4200] =	vst v63  }
0x228: {  	_ = 	snop  }
0x229: {  	[tilespmem:s16], [sflag:$0x1] =	stream.indirect.gather [hbm4b:s23+s9], $0x20, s15, s9, $0xb8;
	[tilespmem:$0x4200] =	vst v63  }
0x22a: {  	_ =	swait.ge [sflag:s8], $0x1000  }
0x22b: {  	[sflag:s8] =	ssyncset.done $0x0  }
0x22c: {  	[sflag:s8] =	ssyncadd.s32 $0xFFFFF000  }
0x22d: {  	_ =	swait.ge [sflag:s8], $0x1000  }
0x22e: {  	[sflag:s8] =	ssyncset.done $0x0  }
0x22f: {  	[sflag:s8] =	ssyncadd.s32 $0xFFFFF000  }
0x230: {  	_ =	swait.ge [sflag:s8], $0x1000  }
0x231: {  	[sflag:s8] =	ssyncset.done $0x0  }
0x232: {  	[sflag:s8] =	ssyncadd.s32 $0xFFFFF000  }
0x233: {  	_ =	swait.ge [sflag:s8], $0x1000  }
0x234: {  	[sflag:s8] =	ssyncset.done $0x0  }
0x235: {  	[sflag:s8] =	ssyncadd.s32 $0xFFFFF000  }
0x236: {  	[hbm4b:s25+s2] =	stream.linear.scatter [tilespmem:s6], [sflag:$0x2], $0x4000, $0x38;
	[tilespmem:$0x4200] =	vst v63  }
0x237: {  	_ =	swait.ge [sflag:s4], $0x4000  }
0x238: {  	[sflag:s4] =	ssyncset.done $0x0  }
0x239: {  	[sflag:s4] =	ssyncadd.s32 $0xFFFFC000  }
0x23a: {  	[tilespmem:s2], [sflag:$0x2] =	stream.linear.gather [hbm4b:s24+s2], $0x200, $0x38;
	[tilespmem:$0x4200] =	vst v63  }
0x23b: {  	_ =	swait.ge [sflag:s4], $0x200  }
0x23c: {  	[sflag:s4] =	ssyncset.done $0x0  }
0x23d: {  	[sflag:s4] =	ssyncadd.s32 $0xFFFFFE00  }
0x23e: {  	[tilespmem:s6], [sflag:$0x1] =	stream.indirect.gather [hbm4b:s20+s9], $0x20, s2, s9, $0xb8;
	[tilespmem:$0x4200] =	vst v63  }
0x23f: {  	_ = 	snop  }
0x240: {  	[tilespmem:s12], [sflag:$0x1] =	stream.indirect.gather [hbm4b:s20+s9], $0x20, s9, s9, $0xb8;
	[tilespmem:$0x4200] =	vst v63  }
0x241: {  	_ = 	snop  }
0x242: {  	[tilespmem:s14], [sflag:$0x1] =	stream.indirect.gather [hbm4b:s20+s9], $0x20, s13, s9, $0xb8;
	[tilespmem:$0x4200] =	vst v63  }
0x243: {  	_ = 	snop  }
0x244: {  	[tilespmem:s16], [sflag:$0x1] =	stream.indirect.gather [hbm4b:s20+s9], $0x20, s15, s9, $0xb8;
	[tilespmem:$0x4200] =	vst v63  }
0x245: {  	_ =	swait.ge [sflag:s8], $0x1000  }
0x246: {  	[sflag:s8] =	ssyncset.done $0x0  }
0x247: {  	[sflag:s8] =	ssyncadd.s32 $0xFFFFF000  }
0x248: {  	_ =	swait.ge [sflag:s8], $0x1000  }
0x249: {  	[sflag:s8] =	ssyncset.done $0x0  }
0x24a: {  	[sflag:s8] =	ssyncadd.s32 $0xFFFFF000  }
0x24b: {  	_ =	swait.ge [sflag:s8], $0x1000  }
0x24c: {  	[sflag:s8] =	ssyncset.done $0x0  }
0x24d: {  	[sflag:s8] =	ssyncadd.s32 $0xFFFFF000  }
0x24e: {  	_ =	swait.ge [sflag:s8], $0x1000  }
0x24f: {  	[sflag:s8] =	ssyncset.done $0x0  }
0x250: {  	[sflag:s8] =	ssyncadd.s32 $0xFFFFF000  }
0x251: {  	[hbm4b:s22+s2] =	stream.linear.scatter [tilespmem:s6], [sflag:$0x2], $0x4000, $0x38;
	[tilespmem:$0x4200] =	vst v63  }
0x252: {  	_ =	swait.ge [sflag:s4], $0x4000  }
0x253: {  	[sflag:s4] =	ssyncset.done $0x0  }
0x254: {  	[sflag:s4] =	ssyncadd.s32 $0xFFFFC000  }
0x255: {  	[tilespmem:s2], [sflag:$0x2] =	stream.linear.gather [hbm4b:s21+s2], $0x200, $0x38;
	[tilespmem:$0x4200] =	vst v63  }
0x256: {  	_ =	swait.ge [sflag:s4], $0x200  }
0x257: {  	[sflag:s4] =	ssyncset.done $0x0  }
0x258: {  	[sflag:s4] =	ssyncadd.s32 $0xFFFFFE00  }
0x259: {  	[tilespmem:s6], [sflag:$0x1] =	stream.indirect.gather [hbm4b:s17+s9], $0x20, s2, s9, $0xb8;
	[tilespmem:$0x4200] =	vst v63  }
0x25a: {  	_ = 	snop  }
0x25b: {  	[tilespmem:s12], [sflag:$0x1] =	stream.indirect.gather [hbm4b:s17+s9], $0x20, s9, s9, $0xb8;
	[tilespmem:$0x4200] =	vst v63  }
0x25c: {  	_ = 	snop  }
0x25d: {  	[tilespmem:s14], [sflag:$0x1] =	stream.indirect.gather [hbm4b:s17+s9], $0x20, s13, s9, $0xb8;
	[tilespmem:$0x4200] =	vst v63  }
0x25e: {  	_ = 	snop  }
0x25f: {  	[tilespmem:s16], [sflag:$0x1] =	stream.indirect.gather [hbm4b:s17+s9], $0x20, s15, s9, $0xb8;
	[tilespmem:$0x4200] =	vst v63  }
0x260: {  	_ =	swait.ge [sflag:s8], $0x1000  }
0x261: {  	[sflag:s8] =	ssyncset.done $0x0  }
0x262: {  	[sflag:s8] =	ssyncadd.s32 $0xFFFFF000  }
0x263: {  	_ =	swait.ge [sflag:s8], $0x1000  }
0x264: {  	[sflag:s8] =	ssyncset.done $0x0  }
0x265: {  	[sflag:s8] =	ssyncadd.s32 $0xFFFFF000  }
0x266: {  	_ =	swait.ge [sflag:s8], $0x1000  }
0x267: {  	[sflag:s8] =	ssyncset.done $0x0  }
0x268: {  	[sflag:s8] =	ssyncadd.s32 $0xFFFFF000  }
0x269: {  	_ =	swait.ge [sflag:s8], $0x1000  }
0x26a: {  	[sflag:s8] =	ssyncset.done $0x0  }
0x26b: {  	[sflag:s8] =	ssyncadd.s32 $0xFFFFF000  }
0x26c: {  	[hbm4b:s19+s2] =	stream.linear.scatter [tilespmem:s6], [sflag:$0x2], $0x4000, $0x38;
	[tilespmem:$0x4200] =	vst v63  }
0x26d: {  	_ =	swait.ge [sflag:s4], $0x4000  }
0x26e: {  	[sflag:s4] =	ssyncset.done $0x0  }
0x26f: {  	[sflag:s4] =	ssyncadd.s32 $0xFFFFC000  }
0x270: {  	[tilespmem:s2], [sflag:$0x2] =	stream.linear.gather [hbm4b:s18+s2], $0x200, $0x38;
	[tilespmem:$0x4200] =	vst v63  }
0x271: {  	_ =	swait.ge [sflag:s4], $0x200  }
0x272: {  	[sflag:s4] =	ssyncset.done $0x0  }
0x273: {  	[sflag:s4] =	ssyncadd.s32 $0xFFFFFE00  }
0x274: {  	[tilespmem:s6], [sflag:$0x1] =	stream.indirect.gather [hbm4b:s7+s9], $0x20, s2, s9, $0xb8;
	[tilespmem:$0x4200] =	vst v63  }
0x275: {  	_ = 	snop  }
0x276: {  	[tilespmem:s12], [sflag:$0x1] =	stream.indirect.gather [hbm4b:s7+s9], $0x20, s9, s9, $0xb8;
	[tilespmem:$0x4200] =	vst v63  }
0x277: {  	_ = 	snop  }
0x278: {  	[tilespmem:s14], [sflag:$0x1] =	stream.indirect.gather [hbm4b:s7+s9], $0x20, s13, s9, $0xb8;
	[tilespmem:$0x4200] =	vst v63  }
0x279: {  	_ = 	snop  }
0x27a: {  	[tilespmem:s16], [sflag:$0x1] =	stream.indirect.gather [hbm4b:s7+s9], $0x20, s15, s9, $0xb8;
	[tilespmem:$0x4200] =	vst v63  }
0x27b: {  	_ =	swait.ge [sflag:s8], $0x1000  }
0x27c: {  	[sflag:s8] =	ssyncset.done $0x0  }
0x27d: {  	[sflag:s8] =	ssyncadd.s32 $0xFFFFF000  }
0x27e: {  	_ =	swait.ge [sflag:s8], $0x1000  }
0x27f: {  	[sflag:s8] =	ssyncset.done $0x0  }
0x280: {  	[sflag:s8] =	ssyncadd.s32 $0xFFFFF000  }
0x281: {  	_ =	swait.ge [sflag:s8], $0x1000  }
0x282: {  	[sflag:s8] =	ssyncset.done $0x0  }
0x283: {  	[sflag:s8] =	ssyncadd.s32 $0xFFFFF000  }
0x284: {  	_ =	swait.ge [sflag:s8], $0x1000  }
0x285: {  	[sflag:s8] =	ssyncset.done $0x0  }
0x286: {  	[sflag:s8] =	ssyncadd.s32 $0xFFFFF000  }
0x287: {  	[hbm4b:s11+s2] =	stream.linear.scatter [tilespmem:s6], [sflag:$0x2], $0x4000, $0x38;
	[tilespmem:$0x4200] =	vst v63  }
0x288: {  	_ =	swait.ge [sflag:s4], $0x4000  }
0x289: {  	[sflag:s4] =	ssyncset.done $0x0  }
0x28a: {  	[sflag:s4] =	ssyncadd.s32 $0xFFFFC000  }
0x28b: {  	[tilespmem:s2], [sflag:$0x2] =	stream.linear.gather [hbm4b:s10+s2], $0x200, $0x38;
	[tilespmem:$0x4200] =	vst v63  }
0x28c: {  	_ =	swait.ge [sflag:s4], $0x200  }
0x28d: {  	[sflag:s4] =	ssyncset.done $0x0  }
0x28e: {  	[sflag:s4] =	ssyncadd.s32 $0xFFFFFE00  }
0x28f: {  	[tilespmem:s6], [sflag:$0x1] =	stream.indirect.gather [hbm4b:s3+s9], $0x20, s2, s9, $0xb8;
	[tilespmem:$0x4200] =	vst v63  }
0x290: {  	_ = 	snop  }
0x291: {  	[tilespmem:s12], [sflag:$0x1] =	stream.indirect.gather [hbm4b:s3+s9], $0x20, s9, s9, $0xb8;
	[tilespmem:$0x4200] =	vst v63  }
0x292: {  	_ = 	snop  }
0x293: {  	[tilespmem:s14], [sflag:$0x1] =	stream.indirect.gather [hbm4b:s3+s9], $0x20, s13, s9, $0xb8;
	[tilespmem:$0x4200] =	vst v63  }
0x294: {  	_ = 	snop  }
0x295: {  	[tilespmem:s16], [sflag:$0x1] =	stream.indirect.gather [hbm4b:s3+s9], $0x20, s15, s9, $0xb8;
	[tilespmem:$0x4200] =	vst v63  }
0x296: {  	_ =	swait.ge [sflag:s8], $0x1000  }
0x297: {  	[sflag:s8] =	ssyncset.done $0x0  }
0x298: {  	[sflag:s8] =	ssyncadd.s32 $0xFFFFF000  }
0x299: {  	_ =	swait.ge [sflag:s8], $0x1000  }
0x29a: {  	[sflag:s8] =	ssyncset.done $0x0  }
0x29b: {  	[sflag:s8] =	ssyncadd.s32 $0xFFFFF000  }
0x29c: {  	_ =	swait.ge [sflag:s8], $0x1000  }
0x29d: {  	[sflag:s8] =	ssyncset.done $0x0  }
0x29e: {  	[sflag:s8] =	ssyncadd.s32 $0xFFFFF000  }
0x29f: {  	_ =	swait.ge [sflag:s8], $0x1000  }
0x2a0: {  	[sflag:s8] =	ssyncset.done $0x0  }
0x2a1: {  	[sflag:s8] =	ssyncadd.s32 $0xFFFFF000  }
0x2a2: {  	[hbm4b:s5+s2] =	stream.linear.scatter [tilespmem:s6], [sflag:$0x2], $0x4000, $0x38;
	[tilespmem:$0x4200] =	vst v63  }
0x2a3: {  	_ =	swait.ge [sflag:s4], $0x4000  }
0x2a4: {  	[sflag:s4] =	ssyncset.done $0x0  }
0x2a5: {  	[sflag:s4] =	ssyncadd.s32 $0xFFFFC000  }
0x2a6: {  	_ =	sfence.sel $0x180000  }
0x2a7: {  	[bflag:$0x0] =	sbarrier.arrive $0xFFFF  }
0x2a8: {  	_ =	strace $0x90000047  }
0x2a9: {  	s31 =	stileid.u32;
	[bflag:$0x2] =	sbarrier.arrive $0xFFFF  }
0x2aa: {  	p0 =	sne.s32 s31, $0x0;
	s0 =	rddreg [dreg:$0xa]  }
0x2ab: {  	s0 =	sadd.s32 @!p0 $0x100000, s0  }
0x2ac: {  	[sflag:s0] =	ssyncadd.tile.s32 @!p0 $0x1;
	_ =	shalt  }
.Lfunc_end2:
_tile_overlayer_lowered:
.L_overlay_start_2:
0x2ad: {  	(tag) =	ssettag $0x2  }
0x2ae: {  	s0 =	rddreg [dreg:$0x0];
	s2 =	stileid.u32  }
0x2af: {  	s1 =	rddreg [dreg:$0x1];
	p0 =	sne.s32 s2, $0x0  }
0x2b0: {  	s3 =	rddreg [dreg:$0x2];
	[bflag:$0x3] =	sbarrier.arrive $0xFFFF;
	s2 =	simm.s32 @!p0 $0x1C02  }
0x2b1: {  	[timem:s3], [sflag:s2] =	dma.local @!p0 [hbm:s0], s1  }
0x2b2: {  	s0 =	simm.s32 @!p0 $0x2  }
0x2b3: {  	_ =	swait.ge @!p0 [sflag:s0], s1  }
0x2b4: {  	s1 =	ssub.s32 @!p0 $0x0, s1;
	[sflag:s0] =	ssyncset.done @!p0 $0x0  }
0x2b5: {  	[sflag:s0] =	ssyncadd.s32 @!p0 s1  }
0x2b6: {  	[bflag:$0x3] =	sbarrier.arrive $0xFFFF  }
0x2b7: {  	_ =	shalt  }

</sc_bundles>
